<compile_context>
chip_gen: v7x
topology: tpu7x:2x2x1
jax: 0.10.2.dev20260603
libtpu: 0.0.44.dev20260713+nightly
codegen_flags: <defaults>
</compile_context>

<pallas_src>
import functools

import jax
import jax.numpy as jnp
from jax import lax
from jax.experimental import pallas as pl
from jax.experimental.pallas import tpu as pltpu
from jax.experimental.pallas import tpu_sc as plsc

N, H, S, G, O = 100000, 256, 64, 512, 128
D = H + S

NC, NS = 2, 16
NW = NC * NS
CHUNK = 125
NCHUNK = N // CHUNK
CPW = NCHUNK // NW
IPAD = 128
TRASH = G
ACC_ROWS = 544
ZROWS = ACC_ROWS // NS
CNT_W = 16


def _sc_pool(x, ids_pad, zsum, zcnt, ones):
    mesh = plsc.VectorSubcoreMesh(core_axis_name="c", subcore_axis_name="s")

    @functools.partial(
        pl.kernel,
        out_type=[
            jax.ShapeDtypeStruct((NC, G, H), jnp.float32),
            jax.ShapeDtypeStruct((NC, G, CNT_W), jnp.float32),
        ],
        mesh=mesh,
        scratch_types=[
            pltpu.VMEM((IPAD, H), jnp.float32),
            pltpu.VMEM((IPAD, H), jnp.float32),
            pltpu.VMEM((IPAD, H), jnp.float32),
            pltpu.VMEM((IPAD,), jnp.int32),
            pltpu.VMEM((IPAD,), jnp.int32),
            pltpu.VMEM((IPAD,), jnp.int32),
            pltpu.VMEM((IPAD, CNT_W), jnp.float32),
            pltpu.VMEM_SHARED((ACC_ROWS, H), jnp.float32),
            pltpu.VMEM_SHARED((ACC_ROWS, CNT_W), jnp.float32),
            pltpu.SemaphoreType.DMA,
            pltpu.SemaphoreType.DMA,
            pltpu.SemaphoreType.DMA,
            pltpu.SemaphoreType.DMA,
            pltpu.SemaphoreType.DMA,
            pltpu.SemaphoreType.DMA,
        ],
        compiler_params=pltpu.CompilerParams(use_tc_tiling_on_sc=False),
    )
    def pool(x_hbm, ids_hbm, zsum_hbm, zcnt_hbm, ones_hbm,
             sums_out, cnts_out, rows0, rows1, rows2, ids0, ids1, ids2,
             ones_v, acc_sh, cnt_sh, semL0, semL1, semL2,
             semS0, semS1, semS2):
        c = lax.axis_index("c")
        s = lax.axis_index("s")
        wid = s * NC + c
        base = wid * CPW
        rows_b, ids_b = (rows0, rows1, rows2), (ids0, ids1, ids2)
        sems = (semL0, semL1, semL2)
        sems2 = (semS0, semS1, semS2)

        def start_load(t, b):
            gc = base + t
            pltpu.async_copy(ids_hbm.at[gc], ids_b[b], sems[b])
            pltpu.async_copy(x_hbm.at[pl.ds(gc * CHUNK, CHUNK)],
                             rows_b[b].at[pl.ds(0, CHUNK)], sems[b])

        def wait_load(b):
            pltpu.make_async_copy(ids_hbm.at[0], ids_b[b], sems[b]).wait()
            pltpu.make_async_copy(x_hbm.at[pl.ds(0, CHUNK)],
                                  rows_b[b].at[pl.ds(0, CHUNK)],
                                  sems[b]).wait()

        start_load(0, 0)
        start_load(1, 1)
        pltpu.sync_copy(zsum_hbm.at[pl.ds(s * ZROWS, ZROWS)],
                        acc_sh.at[pl.ds(s * ZROWS, ZROWS)])
        pltpu.sync_copy(zcnt_hbm.at[pl.ds(s * ZROWS, ZROWS)],
                        cnt_sh.at[pl.ds(s * ZROWS, ZROWS)])
        pltpu.sync_copy(ones_hbm, ones_v)
        pltpu.sync_copy(zsum_hbm.at[pl.ds(0, IPAD - CHUNK)],
                        rows0.at[pl.ds(CHUNK, IPAD - CHUNK)])
        pltpu.sync_copy(zsum_hbm.at[pl.ds(0, IPAD - CHUNK)],
                        rows1.at[pl.ds(CHUNK, IPAD - CHUNK)])
        pltpu.sync_copy(zsum_hbm.at[pl.ds(0, IPAD - CHUNK)],
                        rows2.at[pl.ds(CHUNK, IPAD - CHUNK)])
        plsc.subcore_barrier()

        def start_scatter(b):
            pltpu.async_copy(rows_b[b], acc_sh.at[ids_b[b]], sems2[b],
                             add=True)
            pltpu.async_copy(ones_v, cnt_sh.at[ids_b[b]], sems2[b],
                             add=True)

        def wait_scatter(b):
            pltpu.make_async_copy(rows_b[b], acc_sh.at[ids_b[b]],
                                  sems2[b]).wait()
            pltpu.make_async_copy(ones_v, cnt_sh.at[ids_b[b]],
                                  sems2[b]).wait()

        def body(tt, carry):
            for b in range(3):
                t = 3 * tt + b

                @pl.when(t < CPW)
                def _process(t=t, b=b):
                    wait_load(b)
                    start_scatter(b)

                    @pl.when(t >= 1)
                    def _wsc(b=b):
                        wait_scatter((b + 2) % 3)

                    @pl.when(t + 2 < CPW)
                    def _prefetch(t=t, b=b):
                        start_load(t + 2, (b + 2) % 3)

            return carry

        lax.fori_loop(0, (CPW + 2) // 3, body, 0)
        wait_scatter((CPW - 1) % 3)
        plsc.subcore_barrier()

        @pl.when(s == 0)
        def _():
            pltpu.sync_copy(acc_sh.at[pl.ds(0, G)], sums_out.at[c])
            pltpu.sync_copy(cnt_sh.at[pl.ds(0, G)], cnts_out.at[c])

    return pool(x, ids_pad, zsum, zcnt, ones)


def _elu(v):
    return jnp.where(v > 0.0, v, jnp.exp(jnp.minimum(v, 0.0)) - 1.0)


def _dot(a, b):
    return jnp.dot(a, b, preferred_element_type=jnp.float32,
                   precision=lax.Precision.HIGHEST)


def _mlp_body(sums_ref, cnts_ref, st_ref, w1_ref, b1_ref, w2_ref, b2_ref,
              wo_ref, bo_ref, out_ref):
    sums = sums_ref[0] + sums_ref[1]
    cnt = cnts_ref[0, :, 0:1] + cnts_ref[1, :, 0:1]
    pooled = sums / jnp.maximum(cnt, 1.0)
    h = (_dot(pooled, w1_ref[0:H, :]) + _dot(st_ref[...], w1_ref[H:D, :])
         + b1_ref[...])
    h = _elu(h)
    h = _elu(_dot(h, w2_ref[...]) + b2_ref[...])
    out_ref[...] = _dot(h, wo_ref[...]) + bo_ref[...]


def kernel(X, batch_ids, static_graph_features, W1, b1, W2, b2, Wout, bout):
    ids = batch_ids.astype(jnp.int32).reshape(NCHUNK, CHUNK)
    ids_pad = jnp.full((NCHUNK, IPAD), TRASH, jnp.int32).at[:, :CHUNK].set(ids)
    zsum = jnp.zeros((ACC_ROWS, H), jnp.float32)
    zcnt = jnp.zeros((ACC_ROWS, CNT_W), jnp.float32)
    ones = jnp.ones((IPAD, CNT_W), jnp.float32)
    sums2, cnts2 = _sc_pool(X, ids_pad, zsum, zcnt, ones)
    return pl.pallas_call(
        _mlp_body,
        out_shape=jax.ShapeDtypeStruct((G, O), jnp.float32),
    )(sums2, cnts2, static_graph_features, W1, b1, W2, b2, Wout, bout)

# --- scband reference (transcript-rebuilt; emitter-appended) ---
"""Pipeline reference for scband-graph-predictor-65841848648312 (READ-ONLY COPY).

The authoritative reference and input builder live on the scoring server;
editing this copy changes nothing except your own understanding.
"""

import jax, jax.numpy as jnp
import numpy as np

N, H, S, G, O = 100000, 256, 64, 512, 128
D = H + S


def setup_inputs(seed: int = 0) -> dict:
    key = jax.random.key(seed)
    ks = jax.random.split(key, 10)
    X = jax.random.normal(ks[0], (N, H), dtype=jnp.float32)
    batch_ids = jnp.sort(jax.random.randint(ks[1], (N,), 0, G)).astype(jnp.int64)
    static_graph_features = jax.random.normal(ks[2], (G, S), dtype=jnp.float32)
    W1 = jax.random.normal(ks[3], (D, D), dtype=jnp.float32) * 0.02
    b1 = jnp.zeros((D,), dtype=jnp.float32)
    W2 = jax.random.normal(ks[4], (D, D), dtype=jnp.float32) * 0.02
    b2 = jnp.zeros((D,), dtype=jnp.float32)
    Wout = jax.random.normal(ks[5], (D, O), dtype=jnp.float32) * 0.02
    bout = jnp.zeros((O,), dtype=jnp.float32)
    return {
        "X": X,
        "batch_ids": batch_ids,
        "static_graph_features": static_graph_features,
        "W1": W1, "b1": b1,
        "W2": W2, "b2": b2,
        "Wout": Wout, "bout": bout,
    }


def reference(X, batch_ids, static_graph_features, W1, b1, W2, b2, Wout, bout):
    num_graphs = static_graph_features.shape[0]
    # global_mean_pool: segment-sum then divide by counts
    sums = jax.ops.segment_sum(X, batch_ids, num_segments=num_graphs)
    counts = jax.ops.segment_sum(jnp.ones((X.shape[0], 1), dtype=X.dtype), batch_ids, num_segments=num_graphs)
    pooled = sums / jnp.maximum(counts, 1.0)
    h = jnp.concatenate([pooled, static_graph_features], axis=-1)
    # dense_depth=2 Linear+ELU layers (dropout is identity in eval)
    h = jax.nn.elu(h @ W1 + b1)
    h = jax.nn.elu(h @ W2 + b2)
    logits = h @ Wout + bout
    return logits

if __name__ == "__main__":
    import jax
    _d = setup_inputs()
    print(jax.jit(kernel)(*tuple(_d.values())))

</pallas_src>

<mosaic_0001>
#map = affine_map<(d0, d1) -> (0, 0)>
#map1 = affine_map<(d0, d1) -> (0, 0, 0)>
module attributes {stable_mosaic.version = 14 : i64} {
  func.func @pool(%arg0: i32, %arg1: i32, %arg2: memref<100000x256xf32, #tpu.memory_space<hbm>>, %arg3: memref<800x128xi32, #tpu.memory_space<hbm>>, %arg4: memref<544x256xf32, #tpu.memory_space<hbm>>, %arg5: memref<544x16xf32, #tpu.memory_space<hbm>>, %arg6: memref<128x16xf32, #tpu.memory_space<hbm>>, %arg7: memref<2x512x256xf32, #tpu.memory_space<hbm>>, %arg8: memref<2x512x16xf32, #tpu.memory_space<hbm>>, %arg9: memref<128x256xf32, #tpu.memory_space<vmem>>, %arg10: memref<128x256xf32, #tpu.memory_space<vmem>>, %arg11: memref<128x256xf32, #tpu.memory_space<vmem>>, %arg12: memref<128xi32, #tpu.memory_space<vmem>>, %arg13: memref<128xi32, #tpu.memory_space<vmem>>, %arg14: memref<128xi32, #tpu.memory_space<vmem>>, %arg15: memref<128x16xf32, #tpu.memory_space<vmem>>, %arg16: memref<544x256xf32, #tpu.memory_space<vmem_shared>>, %arg17: memref<544x16xf32, #tpu.memory_space<vmem_shared>>, %arg18: memref<!tpu.dma_semaphore, #tpu.memory_space<semaphore_mem>>, %arg19: memref<!tpu.dma_semaphore, #tpu.memory_space<semaphore_mem>>, %arg20: memref<!tpu.dma_semaphore, #tpu.memory_space<semaphore_mem>>, %arg21: memref<!tpu.dma_semaphore, #tpu.memory_space<semaphore_mem>>, %arg22: memref<!tpu.dma_semaphore, #tpu.memory_space<semaphore_mem>>, %arg23: memref<!tpu.dma_semaphore, #tpu.memory_space<semaphore_mem>>) attributes {dimension_semantics = [#tpu.dimension_semantics<core_parallel>, #tpu.dimension_semantics<subcore_parallel>], iteration_bounds = array<i64: 2, 16>, scalar_prefetch = 0 : i64, scratch_operands = 15 : i64, tpu.core_type = #tpu.core_type<sc_vector_subcore>, window_params = [{transform_indices = #map}, {transform_indices = #map}, {transform_indices = #map}, {transform_indices = #map}, {transform_indices = #map}, {transform_indices = #map1}, {transform_indices = #map1}]} {
    %mul3A = arith.constant 2 : i32
    %mul3A_0 = arith.muli %arg1, %mul3A : i32
    %add3A = arith.addi %mul3A_0, %arg0 : i32
    %mul3A_1 = arith.constant 25 : i32
    %mul3A_2 = arith.muli %add3A, %mul3A_1 : i32
    %add3A_3 = arith.constant 0 : i32
    %add3A_4 = arith.addi %mul3A_2, %add3A_3 : i32
    %dma_start3A = arith.constant 0 : i32
    %dma_start3A_5 = tpu.memref_slice %arg3[%add3A_4, %dma_start3A] : memref<800x128xi32, #tpu.memory_space<hbm>> -> memref<1x128xi32, #tpu.memory_space<hbm>>
    %dma_start3A_6 = tpu.memref_squeeze %dma_start3A_5 : memref<1x128xi32, #tpu.memory_space<hbm>> -> memref<128xi32, #tpu.memory_space<hbm>>
    %dma_start3A_7 = arith.constant 0 : i32
    %dma_start3A_8 = tpu.memref_slice %arg3[%add3A_4, %dma_start3A_7] : memref<800x128xi32, #tpu.memory_space<hbm>> -> memref<1x128xi32, #tpu.memory_space<hbm>>
    %dma_start3A_9 = tpu.memref_squeeze %dma_start3A_8 : memref<1x128xi32, #tpu.memory_space<hbm>> -> memref<128xi32, #tpu.memory_space<hbm>>
    tpu.enqueue_dma source(%dma_start3A_9 : memref<128xi32, #tpu.memory_space<hbm>>) target(%arg12 : memref<128xi32, #tpu.memory_space<vmem>>) target_semaphore(%arg18 : memref<!tpu.dma_semaphore, #tpu.memory_space<semaphore_mem>>)
    %mul3A_10 = arith.constant 125 : i32
    %mul3A_11 = arith.muli %add3A_4, %mul3A_10 : i32
    %dma_start3A_12 = arith.constant 0 : i32
    %dma_start3A_13 = arith.constant 0 : i32
    %dma_start3A_14 = tpu.memref_slice %arg9[%dma_start3A_12, %dma_start3A_13] : memref<128x256xf32, #tpu.memory_space<vmem>> -> memref<125x256xf32, #tpu.memory_space<vmem>>
    %dma_start3A_15 = arith.constant 0 : i32
    %dma_start3A_16 = tpu.memref_slice %arg2[%mul3A_11, %dma_start3A_15] : memref<100000x256xf32, #tpu.memory_space<hbm>> -> memref<125x256xf32, #tpu.memory_space<hbm>>
    %dma_start3A_17 = arith.constant 0 : i32
    %dma_start3A_18 = arith.constant 0 : i32
    %dma_start3A_19 = tpu.memref_slice %arg9[%dma_start3A_17, %dma_start3A_18] : memref<128x256xf32, #tpu.memory_space<vmem>> -> memref<125x256xf32, #tpu.memory_space<vmem>>
    %dma_start3A_20 = arith.constant 0 : i32
    %dma_start3A_21 = tpu.memref_slice %arg2[%mul3A_11, %dma_start3A_20] : memref<100000x256xf32, #tpu.memory_space<hbm>> -> memref<125x256xf32, #tpu.memory_space<hbm>>
    tpu.enqueue_dma source(%dma_start3A_21 : memref<125x256xf32, #tpu.memory_space<hbm>>) target(%dma_start3A_19 : memref<125x256xf32, #tpu.memory_space<vmem>>) target_semaphore(%arg18 : memref<!tpu.dma_semaphore, #tpu.memory_space<semaphore_mem>>)
    %add3A_22 = arith.constant 1 : i32
    %add3A_23 = arith.addi %mul3A_2, %add3A_22 : i32
    %dma_start3A_24 = arith.constant 0 : i32
    %dma_start3A_25 = tpu.memref_slice %arg3[%add3A_23, %dma_start3A_24] : memref<800x128xi32, #tpu.memory_space<hbm>> -> memref<1x128xi32, #tpu.memory_space<hbm>>
    %dma_start3A_26 = tpu.memref_squeeze %dma_start3A_25 : memref<1x128xi32, #tpu.memory_space<hbm>> -> memref<128xi32, #tpu.memory_space<hbm>>
    %dma_start3A_27 = arith.constant 0 : i32
    %dma_start3A_28 = tpu.memref_slice %arg3[%add3A_23, %dma_start3A_27] : memref<800x128xi32, #tpu.memory_space<hbm>> -> memref<1x128xi32, #tpu.memory_space<hbm>>
    %dma_start3A_29 = tpu.memref_squeeze %dma_start3A_28 : memref<1x128xi32, #tpu.memory_space<hbm>> -> memref<128xi32, #tpu.memory_space<hbm>>
    tpu.enqueue_dma source(%dma_start3A_29 : memref<128xi32, #tpu.memory_space<hbm>>) target(%arg13 : memref<128xi32, #tpu.memory_space<vmem>>) target_semaphore(%arg19 : memref<!tpu.dma_semaphore, #tpu.memory_space<semaphore_mem>>)
    %mul3A_30 = arith.constant 125 : i32
    %mul3A_31 = arith.muli %add3A_23, %mul3A_30 : i32
    %dma_start3A_32 = arith.constant 0 : i32
    %dma_start3A_33 = arith.constant 0 : i32
    %dma_start3A_34 = tpu.memref_slice %arg10[%dma_start3A_32, %dma_start3A_33] : memref<128x256xf32, #tpu.memory_space<vmem>> -> memref<125x256xf32, #tpu.memory_space<vmem>>
    %dma_start3A_35 = arith.constant 0 : i32
    %dma_start3A_36 = tpu.memref_slice %arg2[%mul3A_31, %dma_start3A_35] : memref<100000x256xf32, #tpu.memory_space<hbm>> -> memref<125x256xf32, #tpu.memory_space<hbm>>
    %dma_start3A_37 = arith.constant 0 : i32
    %dma_start3A_38 = arith.constant 0 : i32
    %dma_start3A_39 = tpu.memref_slice %arg10[%dma_start3A_37, %dma_start3A_38] : memref<128x256xf32, #tpu.memory_space<vmem>> -> memref<125x256xf32, #tpu.memory_space<vmem>>
    %dma_start3A_40 = arith.constant 0 : i32
    %dma_start3A_41 = tpu.memref_slice %arg2[%mul3A_31, %dma_start3A_40] : memref<100000x256xf32, #tpu.memory_space<hbm>> -> memref<125x256xf32, #tpu.memory_space<hbm>>
    tpu.enqueue_dma source(%dma_start3A_41 : memref<125x256xf32, #tpu.memory_space<hbm>>) target(%dma_start3A_39 : memref<125x256xf32, #tpu.memory_space<vmem>>) target_semaphore(%arg19 : memref<!tpu.dma_semaphore, #tpu.memory_space<semaphore_mem>>)
    %mul3A_42 = arith.constant 34 : i32
    %mul3A_43 = arith.muli %arg1, %mul3A_42 : i32
    %mul3A_44 = arith.constant 34 : i32
    %mul3A_45 = arith.muli %arg1, %mul3A_44 : i32
    "tpu.region"() ({
      %run_scoped3A = tpu.sem_alloc : memref<!tpu.dma_semaphore, #tpu.memory_space<semaphore_mem>>
      %dma_start3A_63 = arith.constant 0 : i32
      %dma_start3A_64 = tpu.memref_slice %arg16[%mul3A_45, %dma_start3A_63] : memref<544x256xf32, #tpu.memory_space<vmem_shared>> -> memref<34x256xf32, #tpu.memory_space<vmem_shared>>
      %dma_start3A_65 = arith.constant 0 : i32
      %dma_start3A_66 = tpu.memref_slice %arg4[%mul3A_43, %dma_start3A_65] : memref<544x256xf32, #tpu.memory_space<hbm>> -> memref<34x256xf32, #tpu.memory_space<hbm>>
      tpu.enqueue_dma source(%dma_start3A_66 : memref<34x256xf32, #tpu.memory_space<hbm>>) target(%dma_start3A_64 : memref<34x256xf32, #tpu.memory_space<vmem_shared>>) target_semaphore(%run_scoped3A : memref<!tpu.dma_semaphore, #tpu.memory_space<semaphore_mem>>)
      %dma_wait3A_67 = arith.constant 0 : i32
      %dma_wait3A_68 = tpu.memref_slice %arg16[%mul3A_45, %dma_wait3A_67] : memref<544x256xf32, #tpu.memory_space<vmem_shared>> -> memref<34x256xf32, #tpu.memory_space<vmem_shared>>
      %dma_wait3A_69 = arith.constant 0 : i32
      %dma_wait3A_70 = tpu.memref_slice %arg4[%mul3A_43, %dma_wait3A_69] : memref<544x256xf32, #tpu.memory_space<hbm>> -> memref<34x256xf32, #tpu.memory_space<hbm>>
      tpu.wait_dma2 semaphore(%run_scoped3A : memref<!tpu.dma_semaphore, #tpu.memory_space<semaphore_mem>>) src(%dma_wait3A_70 : memref<34x256xf32, #tpu.memory_space<hbm>>) dst(%dma_wait3A_68 : memref<34x256xf32, #tpu.memory_space<vmem_shared>>)
      tpu.yield
    }) : () -> ()
    %mul3A_46 = arith.constant 34 : i32
    %mul3A_47 = arith.muli %arg1, %mul3A_46 : i32
    %mul3A_48 = arith.constant 34 : i32
    %mul3A_49 = arith.muli %arg1, %mul3A_48 : i32
    "tpu.region"() ({
      %run_scoped3A = tpu.sem_alloc : memref<!tpu.dma_semaphore, #tpu.memory_space<semaphore_mem>>
      %dma_start3A_63 = arith.constant 0 : i32
      %dma_start3A_64 = tpu.memref_slice %arg17[%mul3A_49, %dma_start3A_63] : memref<544x16xf32, #tpu.memory_space<vmem_shared>> -> memref<34x16xf32, #tpu.memory_space<vmem_shared>>
      %dma_start3A_65 = arith.constant 0 : i32
      %dma_start3A_66 = tpu.memref_slice %arg5[%mul3A_47, %dma_start3A_65] : memref<544x16xf32, #tpu.memory_space<hbm>> -> memref<34x16xf32, #tpu.memory_space<hbm>>
      tpu.enqueue_dma source(%dma_start3A_66 : memref<34x16xf32, #tpu.memory_space<hbm>>) target(%dma_start3A_64 : memref<34x16xf32, #tpu.memory_space<vmem_shared>>) target_semaphore(%run_scoped3A : memref<!tpu.dma_semaphore, #tpu.memory_space<semaphore_mem>>)
      %dma_wait3A_67 = arith.constant 0 : i32
      %dma_wait3A_68 = tpu.memref_slice %arg17[%mul3A_49, %dma_wait3A_67] : memref<544x16xf32, #tpu.memory_space<vmem_shared>> -> memref<34x16xf32, #tpu.memory_space<vmem_shared>>
      %dma_wait3A_69 = arith.constant 0 : i32
      %dma_wait3A_70 = tpu.memref_slice %arg5[%mul3A_47, %dma_wait3A_69] : memref<544x16xf32, #tpu.memory_space<hbm>> -> memref<34x16xf32, #tpu.memory_space<hbm>>
      tpu.wait_dma2 semaphore(%run_scoped3A : memref<!tpu.dma_semaphore, #tpu.memory_space<semaphore_mem>>) src(%dma_wait3A_70 : memref<34x16xf32, #tpu.memory_space<hbm>>) dst(%dma_wait3A_68 : memref<34x16xf32, #tpu.memory_space<vmem_shared>>)
      tpu.yield
    }) : () -> ()
    "tpu.region"() ({
      %run_scoped3A = tpu.sem_alloc : memref<!tpu.dma_semaphore, #tpu.memory_space<semaphore_mem>>
      tpu.enqueue_dma source(%arg6 : memref<128x16xf32, #tpu.memory_space<hbm>>) target(%arg15 : memref<128x16xf32, #tpu.memory_space<vmem>>) target_semaphore(%run_scoped3A : memref<!tpu.dma_semaphore, #tpu.memory_space<semaphore_mem>>)
      tpu.wait_dma2 semaphore(%run_scoped3A : memref<!tpu.dma_semaphore, #tpu.memory_space<semaphore_mem>>) src(%arg6 : memref<128x16xf32, #tpu.memory_space<hbm>>) dst(%arg15 : memref<128x16xf32, #tpu.memory_space<vmem>>)
      tpu.yield
    }) : () -> ()
    "tpu.region"() ({
      %run_scoped3A = tpu.sem_alloc : memref<!tpu.dma_semaphore, #tpu.memory_space<semaphore_mem>>
      %dma_start3A_63 = arith.constant 125 : i32
      %dma_start3A_64 = arith.constant 0 : i32
      %dma_start3A_65 = tpu.memref_slice %arg9[%dma_start3A_63, %dma_start3A_64] : memref<128x256xf32, #tpu.memory_space<vmem>> -> memref<3x256xf32, #tpu.memory_space<vmem>>
      %dma_start3A_66 = arith.constant 0 : i32
      %dma_start3A_67 = arith.constant 0 : i32
      %dma_start3A_68 = tpu.memref_slice %arg4[%dma_start3A_66, %dma_start3A_67] : memref<544x256xf32, #tpu.memory_space<hbm>> -> memref<3x256xf32, #tpu.memory_space<hbm>>
      %dma_start3A_69 = arith.constant 125 : i32
      %dma_start3A_70 = arith.constant 0 : i32
      %dma_start3A_71 = tpu.memref_slice %arg9[%dma_start3A_69, %dma_start3A_70] : memref<128x256xf32, #tpu.memory_space<vmem>> -> memref<3x256xf32, #tpu.memory_space<vmem>>
      %dma_start3A_72 = arith.constant 0 : i32
      %dma_start3A_73 = arith.constant 0 : i32
      %dma_start3A_74 = tpu.memref_slice %arg4[%dma_start3A_72, %dma_start3A_73] : memref<544x256xf32, #tpu.memory_space<hbm>> -> memref<3x256xf32, #tpu.memory_space<hbm>>
      tpu.enqueue_dma source(%dma_start3A_74 : memref<3x256xf32, #tpu.memory_space<hbm>>) target(%dma_start3A_71 : memref<3x256xf32, #tpu.memory_space<vmem>>) target_semaphore(%run_scoped3A : memref<!tpu.dma_semaphore, #tpu.memory_space<semaphore_mem>>)
      %dma_wait3A_75 = arith.constant 125 : i32
      %dma_wait3A_76 = arith.constant 0 : i32
      %dma_wait3A_77 = tpu.memref_slice %arg9[%dma_wait3A_75, %dma_wait3A_76] : memref<128x256xf32, #tpu.memory_space<vmem>> -> memref<3x256xf32, #tpu.memory_space<vmem>>
      %dma_wait3A_78 = arith.constant 0 : i32
      %dma_wait3A_79 = arith.constant 0 : i32
      %dma_wait3A_80 = tpu.memref_slice %arg4[%dma_wait3A_78, %dma_wait3A_79] : memref<544x256xf32, #tpu.memory_space<hbm>> -> memref<3x256xf32, #tpu.memory_space<hbm>>
      %dma_wait3A_81 = arith.constant 125 : i32
      %dma_wait3A_82 = arith.constant 0 : i32
      %dma_wait3A_83 = tpu.memref_slice %arg9[%dma_wait3A_81, %dma_wait3A_82] : memref<128x256xf32, #tpu.memory_space<vmem>> -> memref<3x256xf32, #tpu.memory_space<vmem>>
      %dma_wait3A_84 = arith.constant 0 : i32
      %dma_wait3A_85 = arith.constant 0 : i32
      %dma_wait3A_86 = tpu.memref_slice %arg4[%dma_wait3A_84, %dma_wait3A_85] : memref<544x256xf32, #tpu.memory_space<hbm>> -> memref<3x256xf32, #tpu.memory_space<hbm>>
      tpu.wait_dma2 semaphore(%run_scoped3A : memref<!tpu.dma_semaphore, #tpu.memory_space<semaphore_mem>>) src(%dma_wait3A_86 : memref<3x256xf32, #tpu.memory_space<hbm>>) dst(%dma_wait3A_83 : memref<3x256xf32, #tpu.memory_space<vmem>>)
      tpu.yield
    }) : () -> ()
    "tpu.region"() ({
      %run_scoped3A = tpu.sem_alloc : memref<!tpu.dma_semaphore, #tpu.memory_space<semaphore_mem>>
      %dma_start3A_63 = arith.constant 125 : i32
      %dma_start3A_64 = arith.constant 0 : i32
      %dma_start3A_65 = tpu.memref_slice %arg10[%dma_start3A_63, %dma_start3A_64] : memref<128x256xf32, #tpu.memory_space<vmem>> -> memref<3x256xf32, #tpu.memory_space<vmem>>
      %dma_start3A_66 = arith.constant 0 : i32
      %dma_start3A_67 = arith.constant 0 : i32
      %dma_start3A_68 = tpu.memref_slice %arg4[%dma_start3A_66, %dma_start3A_67] : memref<544x256xf32, #tpu.memory_space<hbm>> -> memref<3x256xf32, #tpu.memory_space<hbm>>
      %dma_start3A_69 = arith.constant 125 : i32
      %dma_start3A_70 = arith.constant 0 : i32
      %dma_start3A_71 = tpu.memref_slice %arg10[%dma_start3A_69, %dma_start3A_70] : memref<128x256xf32, #tpu.memory_space<vmem>> -> memref<3x256xf32, #tpu.memory_space<vmem>>
      %dma_start3A_72 = arith.constant 0 : i32
      %dma_start3A_73 = arith.constant 0 : i32
      %dma_start3A_74 = tpu.memref_slice %arg4[%dma_start3A_72, %dma_start3A_73] : memref<544x256xf32, #tpu.memory_space<hbm>> -> memref<3x256xf32, #tpu.memory_space<hbm>>
      tpu.enqueue_dma source(%dma_start3A_74 : memref<3x256xf32, #tpu.memory_space<hbm>>) target(%dma_start3A_71 : memref<3x256xf32, #tpu.memory_space<vmem>>) target_semaphore(%run_scoped3A : memref<!tpu.dma_semaphore, #tpu.memory_space<semaphore_mem>>)
      %dma_wait3A_75 = arith.constant 125 : i32
      %dma_wait3A_76 = arith.constant 0 : i32
      %dma_wait3A_77 = tpu.memref_slice %arg10[%dma_wait3A_75, %dma_wait3A_76] : memref<128x256xf32, #tpu.memory_space<vmem>> -> memref<3x256xf32, #tpu.memory_space<vmem>>
      %dma_wait3A_78 = arith.constant 0 : i32
      %dma_wait3A_79 = arith.constant 0 : i32
      %dma_wait3A_80 = tpu.memref_slice %arg4[%dma_wait3A_78, %dma_wait3A_79] : memref<544x256xf32, #tpu.memory_space<hbm>> -> memref<3x256xf32, #tpu.memory_space<hbm>>
      %dma_wait3A_81 = arith.constant 125 : i32
      %dma_wait3A_82 = arith.constant 0 : i32
      %dma_wait3A_83 = tpu.memref_slice %arg10[%dma_wait3A_81, %dma_wait3A_82] : memref<128x256xf32, #tpu.memory_space<vmem>> -> memref<3x256xf32, #tpu.memory_space<vmem>>
      %dma_wait3A_84 = arith.constant 0 : i32
      %dma_wait3A_85 = arith.constant 0 : i32
      %dma_wait3A_86 = tpu.memref_slice %arg4[%dma_wait3A_84, %dma_wait3A_85] : memref<544x256xf32, #tpu.memory_space<hbm>> -> memref<3x256xf32, #tpu.memory_space<hbm>>
      tpu.wait_dma2 semaphore(%run_scoped3A : memref<!tpu.dma_semaphore, #tpu.memory_space<semaphore_mem>>) src(%dma_wait3A_86 : memref<3x256xf32, #tpu.memory_space<hbm>>) dst(%dma_wait3A_83 : memref<3x256xf32, #tpu.memory_space<vmem>>)
      tpu.yield
    }) : () -> ()
    "tpu.region"() ({
      %run_scoped3A = tpu.sem_alloc : memref<!tpu.dma_semaphore, #tpu.memory_space<semaphore_mem>>
      %dma_start3A_63 = arith.constant 125 : i32
      %dma_start3A_64 = arith.constant 0 : i32
      %dma_start3A_65 = tpu.memref_slice %arg11[%dma_start3A_63, %dma_start3A_64] : memref<128x256xf32, #tpu.memory_space<vmem>> -> memref<3x256xf32, #tpu.memory_space<vmem>>
      %dma_start3A_66 = arith.constant 0 : i32
      %dma_start3A_67 = arith.constant 0 : i32
      %dma_start3A_68 = tpu.memref_slice %arg4[%dma_start3A_66, %dma_start3A_67] : memref<544x256xf32, #tpu.memory_space<hbm>> -> memref<3x256xf32, #tpu.memory_space<hbm>>
      %dma_start3A_69 = arith.constant 125 : i32
      %dma_start3A_70 = arith.constant 0 : i32
      %dma_start3A_71 = tpu.memref_slice %arg11[%dma_start3A_69, %dma_start3A_70] : memref<128x256xf32, #tpu.memory_space<vmem>> -> memref<3x256xf32, #tpu.memory_space<vmem>>
      %dma_start3A_72 = arith.constant 0 : i32
      %dma_start3A_73 = arith.constant 0 : i32
      %dma_start3A_74 = tpu.memref_slice %arg4[%dma_start3A_72, %dma_start3A_73] : memref<544x256xf32, #tpu.memory_space<hbm>> -> memref<3x256xf32, #tpu.memory_space<hbm>>
      tpu.enqueue_dma source(%dma_start3A_74 : memref<3x256xf32, #tpu.memory_space<hbm>>) target(%dma_start3A_71 : memref<3x256xf32, #tpu.memory_space<vmem>>) target_semaphore(%run_scoped3A : memref<!tpu.dma_semaphore, #tpu.memory_space<semaphore_mem>>)
      %dma_wait3A_75 = arith.constant 125 : i32
      %dma_wait3A_76 = arith.constant 0 : i32
      %dma_wait3A_77 = tpu.memref_slice %arg11[%dma_wait3A_75, %dma_wait3A_76] : memref<128x256xf32, #tpu.memory_space<vmem>> -> memref<3x256xf32, #tpu.memory_space<vmem>>
      %dma_wait3A_78 = arith.constant 0 : i32
      %dma_wait3A_79 = arith.constant 0 : i32
      %dma_wait3A_80 = tpu.memref_slice %arg4[%dma_wait3A_78, %dma_wait3A_79] : memref<544x256xf32, #tpu.memory_space<hbm>> -> memref<3x256xf32, #tpu.memory_space<hbm>>
      %dma_wait3A_81 = arith.constant 125 : i32
      %dma_wait3A_82 = arith.constant 0 : i32
      %dma_wait3A_83 = tpu.memref_slice %arg11[%dma_wait3A_81, %dma_wait3A_82] : memref<128x256xf32, #tpu.memory_space<vmem>> -> memref<3x256xf32, #tpu.memory_space<vmem>>
      %dma_wait3A_84 = arith.constant 0 : i32
      %dma_wait3A_85 = arith.constant 0 : i32
      %dma_wait3A_86 = tpu.memref_slice %arg4[%dma_wait3A_84, %dma_wait3A_85] : memref<544x256xf32, #tpu.memory_space<hbm>> -> memref<3x256xf32, #tpu.memory_space<hbm>>
      tpu.wait_dma2 semaphore(%run_scoped3A : memref<!tpu.dma_semaphore, #tpu.memory_space<semaphore_mem>>) src(%dma_wait3A_86 : memref<3x256xf32, #tpu.memory_space<hbm>>) dst(%dma_wait3A_83 : memref<3x256xf32, #tpu.memory_space<vmem>>)
      tpu.yield
    }) : () -> ()
    %barrier3A = arith.constant 0 : index
    tpu.barrier barrier_id(%barrier3A)
    %scan3A = arith.constant 0 : i32
    %scan3A_50 = arith.constant 0 : i32
    %scan3A_51 = arith.constant 9 : i32
    %scan3A_52 = arith.addi %scan3A_50, %scan3A_51 : i32
    %scan3A_53 = arith.constant 1 : i32
    scf.for %scan3A_63 = %scan3A_50 to %scan3A_52 step %scan3A_53  : i32 {
      %mul3A_64 = arith.constant 3 : i32
      %mul3A_65 = arith.muli %mul3A_64, %scan3A_63 : i32
      %add3A_66 = arith.constant 0 : i32
      %add3A_67 = arith.addi %mul3A_65, %add3A_66 : i32
      %lt3A = arith.constant 25 : i32
      %lt3A_68 = arith.cmpi slt, %add3A_67, %lt3A : i32
      %convert_element_type3A_69 = arith.extui %lt3A_68 : i1 to i32
      %cond3A_70 = arith.constant 0 : i32
      %cond3A_71 = arith.cmpi ne, %convert_element_type3A_69, %cond3A_70 : i32
      scf.if %cond3A_71 {
        %dma_wait3A_90 = arith.constant 0 : i32
        %dma_wait3A_91 = arith.constant 0 : i32
        %dma_wait3A_92 = tpu.memref_slice %arg3[%dma_wait3A_90, %dma_wait3A_91] : memref<800x128xi32, #tpu.memory_space<hbm>> -> memref<1x128xi32, #tpu.memory_space<hbm>>
        %dma_wait3A_93 = tpu.memref_squeeze %dma_wait3A_92 : memref<1x128xi32, #tpu.memory_space<hbm>> -> memref<128xi32, #tpu.memory_space<hbm>>
        %dma_wait3A_94 = arith.constant 0 : i32
        %dma_wait3A_95 = tpu.memref_slice %arg3[%dma_wait3A_90, %dma_wait3A_94] : memref<800x128xi32, #tpu.memory_space<hbm>> -> memref<1x128xi32, #tpu.memory_space<hbm>>
        %dma_wait3A_96 = tpu.memref_squeeze %dma_wait3A_95 : memref<1x128xi32, #tpu.memory_space<hbm>> -> memref<128xi32, #tpu.memory_space<hbm>>
        tpu.wait_dma2 semaphore(%arg18 : memref<!tpu.dma_semaphore, #tpu.memory_space<semaphore_mem>>) src(%dma_wait3A_96 : memref<128xi32, #tpu.memory_space<hbm>>) dst(%arg12 : memref<128xi32, #tpu.memory_space<vmem>>)
        %dma_wait3A_97 = arith.constant 0 : i32
        %dma_wait3A_98 = arith.constant 0 : i32
        %dma_wait3A_99 = tpu.memref_slice %arg9[%dma_wait3A_97, %dma_wait3A_98] : memref<128x256xf32, #tpu.memory_space<vmem>> -> memref<125x256xf32, #tpu.memory_space<vmem>>
        %dma_wait3A_100 = arith.constant 0 : i32
        %dma_wait3A_101 = arith.constant 0 : i32
        %dma_wait3A_102 = tpu.memref_slice %arg2[%dma_wait3A_100, %dma_wait3A_101] : memref<100000x256xf32, #tpu.memory_space<hbm>> -> memref<125x256xf32, #tpu.memory_space<hbm>>
        %dma_wait3A_103 = arith.constant 0 : i32
        %dma_wait3A_104 = arith.constant 0 : i32
        %dma_wait3A_105 = tpu.memref_slice %arg9[%dma_wait3A_103, %dma_wait3A_104] : memref<128x256xf32, #tpu.memory_space<vmem>> -> memref<125x256xf32, #tpu.memory_space<vmem>>
        %dma_wait3A_106 = arith.constant 0 : i32
        %dma_wait3A_107 = arith.constant 0 : i32
        %dma_wait3A_108 = tpu.memref_slice %arg2[%dma_wait3A_106, %dma_wait3A_107] : memref<100000x256xf32, #tpu.memory_space<hbm>> -> memref<125x256xf32, #tpu.memory_space<hbm>>
        tpu.wait_dma2 semaphore(%arg18 : memref<!tpu.dma_semaphore, #tpu.memory_space<semaphore_mem>>) src(%dma_wait3A_108 : memref<125x256xf32, #tpu.memory_space<hbm>>) dst(%dma_wait3A_105 : memref<125x256xf32, #tpu.memory_space<vmem>>)
        %dma_start3A_109 = arith.constant 0 : i32
        %dma_start3A_110 = arith.constant 0 : i32
        %dma_start3A_111 = tpu.memref_slice %arg16[%dma_start3A_109, %dma_start3A_110] : memref<544x256xf32, #tpu.memory_space<vmem_shared>> -> memref<544x256xf32, #tpu.memory_space<vmem_shared>>
        tpu.enqueue_indirect_dma source(%arg9 : memref<128x256xf32, #tpu.memory_space<vmem>>) target(%dma_start3A_111 : memref<544x256xf32, #tpu.memory_space<vmem_shared>>) offsets(%arg12 : memref<128xi32, #tpu.memory_space<vmem>>) semaphore(%arg21 : memref<!tpu.dma_semaphore, #tpu.memory_space<semaphore_mem>>) {add = true}
        %dma_start3A_112 = arith.constant 0 : i32
        %dma_start3A_113 = arith.constant 0 : i32
        %dma_start3A_114 = tpu.memref_slice %arg17[%dma_start3A_112, %dma_start3A_113] : memref<544x16xf32, #tpu.memory_space<vmem_shared>> -> memref<544x16xf32, #tpu.memory_space<vmem_shared>>
        tpu.enqueue_indirect_dma source(%arg15 : memref<128x16xf32, #tpu.memory_space<vmem>>) target(%dma_start3A_114 : memref<544x16xf32, #tpu.memory_space<vmem_shared>>) offsets(%arg12 : memref<128xi32, #tpu.memory_space<vmem>>) semaphore(%arg21 : memref<!tpu.dma_semaphore, #tpu.memory_space<semaphore_mem>>) {add = true}
        %ge3A = arith.constant 1 : i32
        %ge3A_115 = arith.cmpi sge, %add3A_67, %ge3A : i32
        %convert_element_type3A_116 = arith.extui %ge3A_115 : i1 to i32
        %cond3A_117 = arith.constant 0 : i32
        %cond3A_118 = arith.cmpi ne, %convert_element_type3A_116, %cond3A_117 : i32
        scf.if %cond3A_118 {
          %dma_wait3A_126 = arith.constant 0 : i32
          %dma_wait3A_127 = arith.constant 0 : i32
          %dma_wait3A_128 = tpu.memref_slice %arg16[%dma_wait3A_126, %dma_wait3A_127] : memref<544x256xf32, #tpu.memory_space<vmem_shared>> -> memref<544x256xf32, #tpu.memory_space<vmem_shared>>
          tpu.wait_indirect_dma semaphore(%arg23 : memref<!tpu.dma_semaphore, #tpu.memory_space<semaphore_mem>>) src(%arg11 : memref<128x256xf32, #tpu.memory_space<vmem>>) dst(%dma_wait3A_128 : memref<544x256xf32, #tpu.memory_space<vmem_shared>>)
          %dma_wait3A_129 = arith.constant 0 : i32
          %dma_wait3A_130 = arith.constant 0 : i32
          %dma_wait3A_131 = tpu.memref_slice %arg17[%dma_wait3A_129, %dma_wait3A_130] : memref<544x16xf32, #tpu.memory_space<vmem_shared>> -> memref<544x16xf32, #tpu.memory_space<vmem_shared>>
          tpu.wait_indirect_dma semaphore(%arg23 : memref<!tpu.dma_semaphore, #tpu.memory_space<semaphore_mem>>) src(%arg15 : memref<128x16xf32, #tpu.memory_space<vmem>>) dst(%dma_wait3A_131 : memref<544x16xf32, #tpu.memory_space<vmem_shared>>)
        } else {
        }
        %add3A_119 = arith.constant 2 : i32
        %add3A_120 = arith.addi %add3A_67, %add3A_119 : i32
        %lt3A_121 = arith.constant 25 : i32
        %lt3A_122 = arith.cmpi slt, %add3A_120, %lt3A_121 : i32
        %convert_element_type3A_123 = arith.extui %lt3A_122 : i1 to i32
        %cond3A_124 = arith.constant 0 : i32
        %cond3A_125 = arith.cmpi ne, %convert_element_type3A_123, %cond3A_124 : i32
        scf.if %cond3A_125 {
          %add3A_126 = arith.constant 2 : i32
          %add3A_127 = arith.addi %add3A_67, %add3A_126 : i32
          %add3A_128 = arith.addi %mul3A_2, %add3A_127 : i32
          %dma_start3A_129 = arith.constant 0 : i32
          %dma_start3A_130 = tpu.memref_slice %arg3[%add3A_128, %dma_start3A_129] : memref<800x128xi32, #tpu.memory_space<hbm>> -> memref<1x128xi32, #tpu.memory_space<hbm>>
          %dma_start3A_131 = tpu.memref_squeeze %dma_start3A_130 : memref<1x128xi32, #tpu.memory_space<hbm>> -> memref<128xi32, #tpu.memory_space<hbm>>
          %dma_start3A_132 = arith.constant 0 : i32
          %dma_start3A_133 = tpu.memref_slice %arg3[%add3A_128, %dma_start3A_132] : memref<800x128xi32, #tpu.memory_space<hbm>> -> memref<1x128xi32, #tpu.memory_space<hbm>>
          %dma_start3A_134 = tpu.memref_squeeze %dma_start3A_133 : memref<1x128xi32, #tpu.memory_space<hbm>> -> memref<128xi32, #tpu.memory_space<hbm>>
          tpu.enqueue_dma source(%dma_start3A_134 : memref<128xi32, #tpu.memory_space<hbm>>) target(%arg14 : memref<128xi32, #tpu.memory_space<vmem>>) target_semaphore(%arg20 : memref<!tpu.dma_semaphore, #tpu.memory_space<semaphore_mem>>)
          %mul3A_135 = arith.constant 125 : i32
          %mul3A_136 = arith.muli %add3A_128, %mul3A_135 : i32
          %dma_start3A_137 = arith.constant 0 : i32
          %dma_start3A_138 = arith.constant 0 : i32
          %dma_start3A_139 = tpu.memref_slice %arg11[%dma_start3A_137, %dma_start3A_138] : memref<128x256xf32, #tpu.memory_space<vmem>> -> memref<125x256xf32, #tpu.memory_space<vmem>>
          %dma_start3A_140 = arith.constant 0 : i32
          %dma_start3A_141 = tpu.memref_slice %arg2[%mul3A_136, %dma_start3A_140] : memref<100000x256xf32, #tpu.memory_space<hbm>> -> memref<125x256xf32, #tpu.memory_space<hbm>>
          %dma_start3A_142 = arith.constant 0 : i32
          %dma_start3A_143 = arith.constant 0 : i32
          %dma_start3A_144 = tpu.memref_slice %arg11[%dma_start3A_142, %dma_start3A_143] : memref<128x256xf32, #tpu.memory_space<vmem>> -> memref<125x256xf32, #tpu.memory_space<vmem>>
          %dma_start3A_145 = arith.constant 0 : i32
          %dma_start3A_146 = tpu.memref_slice %arg2[%mul3A_136, %dma_start3A_145] : memref<100000x256xf32, #tpu.memory_space<hbm>> -> memref<125x256xf32, #tpu.memory_space<hbm>>
          tpu.enqueue_dma source(%dma_start3A_146 : memref<125x256xf32, #tpu.memory_space<hbm>>) target(%dma_start3A_144 : memref<125x256xf32, #tpu.memory_space<vmem>>) target_semaphore(%arg20 : memref<!tpu.dma_semaphore, #tpu.memory_space<semaphore_mem>>)
        } else {
        }
      } else {
      }
      %mul3A_72 = arith.constant 3 : i32
      %mul3A_73 = arith.muli %mul3A_72, %scan3A_63 : i32
      %add3A_74 = arith.constant 1 : i32
      %add3A_75 = arith.addi %mul3A_73, %add3A_74 : i32
      %lt3A_76 = arith.constant 25 : i32
      %lt3A_77 = arith.cmpi slt, %add3A_75, %lt3A_76 : i32
      %convert_element_type3A_78 = arith.extui %lt3A_77 : i1 to i32
      %cond3A_79 = arith.constant 0 : i32
      %cond3A_80 = arith.cmpi ne, %convert_element_type3A_78, %cond3A_79 : i32
      scf.if %cond3A_80 {
        %dma_wait3A_90 = arith.constant 0 : i32
        %dma_wait3A_91 = arith.constant 0 : i32
        %dma_wait3A_92 = tpu.memref_slice %arg3[%dma_wait3A_90, %dma_wait3A_91] : memref<800x128xi32, #tpu.memory_space<hbm>> -> memref<1x128xi32, #tpu.memory_space<hbm>>
        %dma_wait3A_93 = tpu.memref_squeeze %dma_wait3A_92 : memref<1x128xi32, #tpu.memory_space<hbm>> -> memref<128xi32, #tpu.memory_space<hbm>>
        %dma_wait3A_94 = arith.constant 0 : i32
        %dma_wait3A_95 = tpu.memref_slice %arg3[%dma_wait3A_90, %dma_wait3A_94] : memref<800x128xi32, #tpu.memory_space<hbm>> -> memref<1x128xi32, #tpu.memory_space<hbm>>
        %dma_wait3A_96 = tpu.memref_squeeze %dma_wait3A_95 : memref<1x128xi32, #tpu.memory_space<hbm>> -> memref<128xi32, #tpu.memory_space<hbm>>
        tpu.wait_dma2 semaphore(%arg19 : memref<!tpu.dma_semaphore, #tpu.memory_space<semaphore_mem>>) src(%dma_wait3A_96 : memref<128xi32, #tpu.memory_space<hbm>>) dst(%arg13 : memref<128xi32, #tpu.memory_space<vmem>>)
        %dma_wait3A_97 = arith.constant 0 : i32
        %dma_wait3A_98 = arith.constant 0 : i32
        %dma_wait3A_99 = tpu.memref_slice %arg10[%dma_wait3A_97, %dma_wait3A_98] : memref<128x256xf32, #tpu.memory_space<vmem>> -> memref<125x256xf32, #tpu.memory_space<vmem>>
        %dma_wait3A_100 = arith.constant 0 : i32
        %dma_wait3A_101 = arith.constant 0 : i32
        %dma_wait3A_102 = tpu.memref_slice %arg2[%dma_wait3A_100, %dma_wait3A_101] : memref<100000x256xf32, #tpu.memory_space<hbm>> -> memref<125x256xf32, #tpu.memory_space<hbm>>
        %dma_wait3A_103 = arith.constant 0 : i32
        %dma_wait3A_104 = arith.constant 0 : i32
        %dma_wait3A_105 = tpu.memref_slice %arg10[%dma_wait3A_103, %dma_wait3A_104] : memref<128x256xf32, #tpu.memory_space<vmem>> -> memref<125x256xf32, #tpu.memory_space<vmem>>
        %dma_wait3A_106 = arith.constant 0 : i32
        %dma_wait3A_107 = arith.constant 0 : i32
        %dma_wait3A_108 = tpu.memref_slice %arg2[%dma_wait3A_106, %dma_wait3A_107] : memref<100000x256xf32, #tpu.memory_space<hbm>> -> memref<125x256xf32, #tpu.memory_space<hbm>>
        tpu.wait_dma2 semaphore(%arg19 : memref<!tpu.dma_semaphore, #tpu.memory_space<semaphore_mem>>) src(%dma_wait3A_108 : memref<125x256xf32, #tpu.memory_space<hbm>>) dst(%dma_wait3A_105 : memref<125x256xf32, #tpu.memory_space<vmem>>)
        %dma_start3A_109 = arith.constant 0 : i32
        %dma_start3A_110 = arith.constant 0 : i32
        %dma_start3A_111 = tpu.memref_slice %arg16[%dma_start3A_109, %dma_start3A_110] : memref<544x256xf32, #tpu.memory_space<vmem_shared>> -> memref<544x256xf32, #tpu.memory_space<vmem_shared>>
        tpu.enqueue_indirect_dma source(%arg10 : memref<128x256xf32, #tpu.memory_space<vmem>>) target(%dma_start3A_111 : memref<544x256xf32, #tpu.memory_space<vmem_shared>>) offsets(%arg13 : memref<128xi32, #tpu.memory_space<vmem>>) semaphore(%arg22 : memref<!tpu.dma_semaphore, #tpu.memory_space<semaphore_mem>>) {add = true}
        %dma_start3A_112 = arith.constant 0 : i32
        %dma_start3A_113 = arith.constant 0 : i32
        %dma_start3A_114 = tpu.memref_slice %arg17[%dma_start3A_112, %dma_start3A_113] : memref<544x16xf32, #tpu.memory_space<vmem_shared>> -> memref<544x16xf32, #tpu.memory_space<vmem_shared>>
        tpu.enqueue_indirect_dma source(%arg15 : memref<128x16xf32, #tpu.memory_space<vmem>>) target(%dma_start3A_114 : memref<544x16xf32, #tpu.memory_space<vmem_shared>>) offsets(%arg13 : memref<128xi32, #tpu.memory_space<vmem>>) semaphore(%arg22 : memref<!tpu.dma_semaphore, #tpu.memory_space<semaphore_mem>>) {add = true}
        %ge3A = arith.constant 1 : i32
        %ge3A_115 = arith.cmpi sge, %add3A_75, %ge3A : i32
        %convert_element_type3A_116 = arith.extui %ge3A_115 : i1 to i32
        %cond3A_117 = arith.constant 0 : i32
        %cond3A_118 = arith.cmpi ne, %convert_element_type3A_116, %cond3A_117 : i32
        scf.if %cond3A_118 {
          %dma_wait3A_126 = arith.constant 0 : i32
          %dma_wait3A_127 = arith.constant 0 : i32
          %dma_wait3A_128 = tpu.memref_slice %arg16[%dma_wait3A_126, %dma_wait3A_127] : memref<544x256xf32, #tpu.memory_space<vmem_shared>> -> memref<544x256xf32, #tpu.memory_space<vmem_shared>>
          tpu.wait_indirect_dma semaphore(%arg21 : memref<!tpu.dma_semaphore, #tpu.memory_space<semaphore_mem>>) src(%arg9 : memref<128x256xf32, #tpu.memory_space<vmem>>) dst(%dma_wait3A_128 : memref<544x256xf32, #tpu.memory_space<vmem_shared>>)
          %dma_wait3A_129 = arith.constant 0 : i32
          %dma_wait3A_130 = arith.constant 0 : i32
          %dma_wait3A_131 = tpu.memref_slice %arg17[%dma_wait3A_129, %dma_wait3A_130] : memref<544x16xf32, #tpu.memory_space<vmem_shared>> -> memref<544x16xf32, #tpu.memory_space<vmem_shared>>
          tpu.wait_indirect_dma semaphore(%arg21 : memref<!tpu.dma_semaphore, #tpu.memory_space<semaphore_mem>>) src(%arg15 : memref<128x16xf32, #tpu.memory_space<vmem>>) dst(%dma_wait3A_131 : memref<544x16xf32, #tpu.memory_space<vmem_shared>>)
        } else {
        }
        %add3A_119 = arith.constant 2 : i32
        %add3A_120 = arith.addi %add3A_75, %add3A_119 : i32
        %lt3A_121 = arith.constant 25 : i32
        %lt3A_122 = arith.cmpi slt, %add3A_120, %lt3A_121 : i32
        %convert_element_type3A_123 = arith.extui %lt3A_122 : i1 to i32
        %cond3A_124 = arith.constant 0 : i32
        %cond3A_125 = arith.cmpi ne, %convert_element_type3A_123, %cond3A_124 : i32
        scf.if %cond3A_125 {
          %add3A_126 = arith.constant 2 : i32
          %add3A_127 = arith.addi %add3A_75, %add3A_126 : i32
          %add3A_128 = arith.addi %mul3A_2, %add3A_127 : i32
          %dma_start3A_129 = arith.constant 0 : i32
          %dma_start3A_130 = tpu.memref_slice %arg3[%add3A_128, %dma_start3A_129] : memref<800x128xi32, #tpu.memory_space<hbm>> -> memref<1x128xi32, #tpu.memory_space<hbm>>
          %dma_start3A_131 = tpu.memref_squeeze %dma_start3A_130 : memref<1x128xi32, #tpu.memory_space<hbm>> -> memref<128xi32, #tpu.memory_space<hbm>>
          %dma_start3A_132 = arith.constant 0 : i32
          %dma_start3A_133 = tpu.memref_slice %arg3[%add3A_128, %dma_start3A_132] : memref<800x128xi32, #tpu.memory_space<hbm>> -> memref<1x128xi32, #tpu.memory_space<hbm>>
          %dma_start3A_134 = tpu.memref_squeeze %dma_start3A_133 : memref<1x128xi32, #tpu.memory_space<hbm>> -> memref<128xi32, #tpu.memory_space<hbm>>
          tpu.enqueue_dma source(%dma_start3A_134 : memref<128xi32, #tpu.memory_space<hbm>>) target(%arg12 : memref<128xi32, #tpu.memory_space<vmem>>) target_semaphore(%arg18 : memref<!tpu.dma_semaphore, #tpu.memory_space<semaphore_mem>>)
          %mul3A_135 = arith.constant 125 : i32
          %mul3A_136 = arith.muli %add3A_128, %mul3A_135 : i32
          %dma_start3A_137 = arith.constant 0 : i32
          %dma_start3A_138 = arith.constant 0 : i32
          %dma_start3A_139 = tpu.memref_slice %arg9[%dma_start3A_137, %dma_start3A_138] : memref<128x256xf32, #tpu.memory_space<vmem>> -> memref<125x256xf32, #tpu.memory_space<vmem>>
          %dma_start3A_140 = arith.constant 0 : i32
          %dma_start3A_141 = tpu.memref_slice %arg2[%mul3A_136, %dma_start3A_140] : memref<100000x256xf32, #tpu.memory_space<hbm>> -> memref<125x256xf32, #tpu.memory_space<hbm>>
          %dma_start3A_142 = arith.constant 0 : i32
          %dma_start3A_143 = arith.constant 0 : i32
          %dma_start3A_144 = tpu.memref_slice %arg9[%dma_start3A_142, %dma_start3A_143] : memref<128x256xf32, #tpu.memory_space<vmem>> -> memref<125x256xf32, #tpu.memory_space<vmem>>
          %dma_start3A_145 = arith.constant 0 : i32
          %dma_start3A_146 = tpu.memref_slice %arg2[%mul3A_136, %dma_start3A_145] : memref<100000x256xf32, #tpu.memory_space<hbm>> -> memref<125x256xf32, #tpu.memory_space<hbm>>
          tpu.enqueue_dma source(%dma_start3A_146 : memref<125x256xf32, #tpu.memory_space<hbm>>) target(%dma_start3A_144 : memref<125x256xf32, #tpu.memory_space<vmem>>) target_semaphore(%arg18 : memref<!tpu.dma_semaphore, #tpu.memory_space<semaphore_mem>>)
        } else {
        }
      } else {
      }
      %mul3A_81 = arith.constant 3 : i32
      %mul3A_82 = arith.muli %mul3A_81, %scan3A_63 : i32
      %add3A_83 = arith.constant 2 : i32
      %add3A_84 = arith.addi %mul3A_82, %add3A_83 : i32
      %lt3A_85 = arith.constant 25 : i32
      %lt3A_86 = arith.cmpi slt, %add3A_84, %lt3A_85 : i32
      %convert_element_type3A_87 = arith.extui %lt3A_86 : i1 to i32
      %cond3A_88 = arith.constant 0 : i32
      %cond3A_89 = arith.cmpi ne, %convert_element_type3A_87, %cond3A_88 : i32
      scf.if %cond3A_89 {
        %dma_wait3A_90 = arith.constant 0 : i32
        %dma_wait3A_91 = arith.constant 0 : i32
        %dma_wait3A_92 = tpu.memref_slice %arg3[%dma_wait3A_90, %dma_wait3A_91] : memref<800x128xi32, #tpu.memory_space<hbm>> -> memref<1x128xi32, #tpu.memory_space<hbm>>
        %dma_wait3A_93 = tpu.memref_squeeze %dma_wait3A_92 : memref<1x128xi32, #tpu.memory_space<hbm>> -> memref<128xi32, #tpu.memory_space<hbm>>
        %dma_wait3A_94 = arith.constant 0 : i32
        %dma_wait3A_95 = tpu.memref_slice %arg3[%dma_wait3A_90, %dma_wait3A_94] : memref<800x128xi32, #tpu.memory_space<hbm>> -> memref<1x128xi32, #tpu.memory_space<hbm>>
        %dma_wait3A_96 = tpu.memref_squeeze %dma_wait3A_95 : memref<1x128xi32, #tpu.memory_space<hbm>> -> memref<128xi32, #tpu.memory_space<hbm>>
        tpu.wait_dma2 semaphore(%arg20 : memref<!tpu.dma_semaphore, #tpu.memory_space<semaphore_mem>>) src(%dma_wait3A_96 : memref<128xi32, #tpu.memory_space<hbm>>) dst(%arg14 : memref<128xi32, #tpu.memory_space<vmem>>)
        %dma_wait3A_97 = arith.constant 0 : i32
        %dma_wait3A_98 = arith.constant 0 : i32
        %dma_wait3A_99 = tpu.memref_slice %arg11[%dma_wait3A_97, %dma_wait3A_98] : memref<128x256xf32, #tpu.memory_space<vmem>> -> memref<125x256xf32, #tpu.memory_space<vmem>>
        %dma_wait3A_100 = arith.constant 0 : i32
        %dma_wait3A_101 = arith.constant 0 : i32
        %dma_wait3A_102 = tpu.memref_slice %arg2[%dma_wait3A_100, %dma_wait3A_101] : memref<100000x256xf32, #tpu.memory_space<hbm>> -> memref<125x256xf32, #tpu.memory_space<hbm>>
        %dma_wait3A_103 = arith.constant 0 : i32
        %dma_wait3A_104 = arith.constant 0 : i32
        %dma_wait3A_105 = tpu.memref_slice %arg11[%dma_wait3A_103, %dma_wait3A_104] : memref<128x256xf32, #tpu.memory_space<vmem>> -> memref<125x256xf32, #tpu.memory_space<vmem>>
        %dma_wait3A_106 = arith.constant 0 : i32
        %dma_wait3A_107 = arith.constant 0 : i32
        %dma_wait3A_108 = tpu.memref_slice %arg2[%dma_wait3A_106, %dma_wait3A_107] : memref<100000x256xf32, #tpu.memory_space<hbm>> -> memref<125x256xf32, #tpu.memory_space<hbm>>
        tpu.wait_dma2 semaphore(%arg20 : memref<!tpu.dma_semaphore, #tpu.memory_space<semaphore_mem>>) src(%dma_wait3A_108 : memref<125x256xf32, #tpu.memory_space<hbm>>) dst(%dma_wait3A_105 : memref<125x256xf32, #tpu.memory_space<vmem>>)
        %dma_start3A_109 = arith.constant 0 : i32
        %dma_start3A_110 = arith.constant 0 : i32
        %dma_start3A_111 = tpu.memref_slice %arg16[%dma_start3A_109, %dma_start3A_110] : memref<544x256xf32, #tpu.memory_space<vmem_shared>> -> memref<544x256xf32, #tpu.memory_space<vmem_shared>>
        tpu.enqueue_indirect_dma source(%arg11 : memref<128x256xf32, #tpu.memory_space<vmem>>) target(%dma_start3A_111 : memref<544x256xf32, #tpu.memory_space<vmem_shared>>) offsets(%arg14 : memref<128xi32, #tpu.memory_space<vmem>>) semaphore(%arg23 : memref<!tpu.dma_semaphore, #tpu.memory_space<semaphore_mem>>) {add = true}
        %dma_start3A_112 = arith.constant 0 : i32
        %dma_start3A_113 = arith.constant 0 : i32
        %dma_start3A_114 = tpu.memref_slice %arg17[%dma_start3A_112, %dma_start3A_113] : memref<544x16xf32, #tpu.memory_space<vmem_shared>> -> memref<544x16xf32, #tpu.memory_space<vmem_shared>>
        tpu.enqueue_indirect_dma source(%arg15 : memref<128x16xf32, #tpu.memory_space<vmem>>) target(%dma_start3A_114 : memref<544x16xf32, #tpu.memory_space<vmem_shared>>) offsets(%arg14 : memref<128xi32, #tpu.memory_space<vmem>>) semaphore(%arg23 : memref<!tpu.dma_semaphore, #tpu.memory_space<semaphore_mem>>) {add = true}
        %ge3A = arith.constant 1 : i32
        %ge3A_115 = arith.cmpi sge, %add3A_84, %ge3A : i32
        %convert_element_type3A_116 = arith.extui %ge3A_115 : i1 to i32
        %cond3A_117 = arith.constant 0 : i32
        %cond3A_118 = arith.cmpi ne, %convert_element_type3A_116, %cond3A_117 : i32
        scf.if %cond3A_118 {
          %dma_wait3A_126 = arith.constant 0 : i32
          %dma_wait3A_127 = arith.constant 0 : i32
          %dma_wait3A_128 = tpu.memref_slice %arg16[%dma_wait3A_126, %dma_wait3A_127] : memref<544x256xf32, #tpu.memory_space<vmem_shared>> -> memref<544x256xf32, #tpu.memory_space<vmem_shared>>
          tpu.wait_indirect_dma semaphore(%arg22 : memref<!tpu.dma_semaphore, #tpu.memory_space<semaphore_mem>>) src(%arg10 : memref<128x256xf32, #tpu.memory_space<vmem>>) dst(%dma_wait3A_128 : memref<544x256xf32, #tpu.memory_space<vmem_shared>>)
          %dma_wait3A_129 = arith.constant 0 : i32
          %dma_wait3A_130 = arith.constant 0 : i32
          %dma_wait3A_131 = tpu.memref_slice %arg17[%dma_wait3A_129, %dma_wait3A_130] : memref<544x16xf32, #tpu.memory_space<vmem_shared>> -> memref<544x16xf32, #tpu.memory_space<vmem_shared>>
          tpu.wait_indirect_dma semaphore(%arg22 : memref<!tpu.dma_semaphore, #tpu.memory_space<semaphore_mem>>) src(%arg15 : memref<128x16xf32, #tpu.memory_space<vmem>>) dst(%dma_wait3A_131 : memref<544x16xf32, #tpu.memory_space<vmem_shared>>)
        } else {
        }
        %add3A_119 = arith.constant 2 : i32
        %add3A_120 = arith.addi %add3A_84, %add3A_119 : i32
        %lt3A_121 = arith.constant 25 : i32
        %lt3A_122 = arith.cmpi slt, %add3A_120, %lt3A_121 : i32
        %convert_element_type3A_123 = arith.extui %lt3A_122 : i1 to i32
        %cond3A_124 = arith.constant 0 : i32
        %cond3A_125 = arith.cmpi ne, %convert_element_type3A_123, %cond3A_124 : i32
        scf.if %cond3A_125 {
          %add3A_126 = arith.constant 2 : i32
          %add3A_127 = arith.addi %add3A_84, %add3A_126 : i32
          %add3A_128 = arith.addi %mul3A_2, %add3A_127 : i32
          %dma_start3A_129 = arith.constant 0 : i32
          %dma_start3A_130 = tpu.memref_slice %arg3[%add3A_128, %dma_start3A_129] : memref<800x128xi32, #tpu.memory_space<hbm>> -> memref<1x128xi32, #tpu.memory_space<hbm>>
          %dma_start3A_131 = tpu.memref_squeeze %dma_start3A_130 : memref<1x128xi32, #tpu.memory_space<hbm>> -> memref<128xi32, #tpu.memory_space<hbm>>
          %dma_start3A_132 = arith.constant 0 : i32
          %dma_start3A_133 = tpu.memref_slice %arg3[%add3A_128, %dma_start3A_132] : memref<800x128xi32, #tpu.memory_space<hbm>> -> memref<1x128xi32, #tpu.memory_space<hbm>>
          %dma_start3A_134 = tpu.memref_squeeze %dma_start3A_133 : memref<1x128xi32, #tpu.memory_space<hbm>> -> memref<128xi32, #tpu.memory_space<hbm>>
          tpu.enqueue_dma source(%dma_start3A_134 : memref<128xi32, #tpu.memory_space<hbm>>) target(%arg13 : memref<128xi32, #tpu.memory_space<vmem>>) target_semaphore(%arg19 : memref<!tpu.dma_semaphore, #tpu.memory_space<semaphore_mem>>)
          %mul3A_135 = arith.constant 125 : i32
          %mul3A_136 = arith.muli %add3A_128, %mul3A_135 : i32
          %dma_start3A_137 = arith.constant 0 : i32
          %dma_start3A_138 = arith.constant 0 : i32
          %dma_start3A_139 = tpu.memref_slice %arg10[%dma_start3A_137, %dma_start3A_138] : memref<128x256xf32, #tpu.memory_space<vmem>> -> memref<125x256xf32, #tpu.memory_space<vmem>>
          %dma_start3A_140 = arith.constant 0 : i32
          %dma_start3A_141 = tpu.memref_slice %arg2[%mul3A_136, %dma_start3A_140] : memref<100000x256xf32, #tpu.memory_space<hbm>> -> memref<125x256xf32, #tpu.memory_space<hbm>>
          %dma_start3A_142 = arith.constant 0 : i32
          %dma_start3A_143 = arith.constant 0 : i32
          %dma_start3A_144 = tpu.memref_slice %arg10[%dma_start3A_142, %dma_start3A_143] : memref<128x256xf32, #tpu.memory_space<vmem>> -> memref<125x256xf32, #tpu.memory_space<vmem>>
          %dma_start3A_145 = arith.constant 0 : i32
          %dma_start3A_146 = tpu.memref_slice %arg2[%mul3A_136, %dma_start3A_145] : memref<100000x256xf32, #tpu.memory_space<hbm>> -> memref<125x256xf32, #tpu.memory_space<hbm>>
          tpu.enqueue_dma source(%dma_start3A_146 : memref<125x256xf32, #tpu.memory_space<hbm>>) target(%dma_start3A_144 : memref<125x256xf32, #tpu.memory_space<vmem>>) target_semaphore(%arg19 : memref<!tpu.dma_semaphore, #tpu.memory_space<semaphore_mem>>)
        } else {
        }
      } else {
      }
    }
    %scan3A_54 = arith.constant 9 : i32
    %dma_wait3A = arith.constant 0 : i32
    %dma_wait3A_55 = arith.constant 0 : i32
    %dma_wait3A_56 = tpu.memref_slice %arg16[%dma_wait3A, %dma_wait3A_55] : memref<544x256xf32, #tpu.memory_space<vmem_shared>> -> memref<544x256xf32, #tpu.memory_space<vmem_shared>>
    tpu.wait_indirect_dma semaphore(%arg21 : memref<!tpu.dma_semaphore, #tpu.memory_space<semaphore_mem>>) src(%arg9 : memref<128x256xf32, #tpu.memory_space<vmem>>) dst(%dma_wait3A_56 : memref<544x256xf32, #tpu.memory_space<vmem_shared>>)
    %dma_wait3A_57 = arith.constant 0 : i32
    %dma_wait3A_58 = arith.constant 0 : i32
    %dma_wait3A_59 = tpu.memref_slice %arg17[%dma_wait3A_57, %dma_wait3A_58] : memref<544x16xf32, #tpu.memory_space<vmem_shared>> -> memref<544x16xf32, #tpu.memory_space<vmem_shared>>
    tpu.wait_indirect_dma semaphore(%arg21 : memref<!tpu.dma_semaphore, #tpu.memory_space<semaphore_mem>>) src(%arg15 : memref<128x16xf32, #tpu.memory_space<vmem>>) dst(%dma_wait3A_59 : memref<544x16xf32, #tpu.memory_space<vmem_shared>>)
    %barrier3A_60 = arith.constant 0 : index
    tpu.barrier barrier_id(%barrier3A_60)
    %eq3A = arith.constant 0 : i32
    %eq3A_61 = arith.cmpi eq, %arg1, %eq3A : i32
    %convert_element_type3A = arith.extui %eq3A_61 : i1 to i32
    %cond3A = arith.constant 0 : i32
    %cond3A_62 = arith.cmpi ne, %convert_element_type3A, %cond3A : i32
    scf.if %cond3A_62 {
      "tpu.region"() ({
        %run_scoped3A = tpu.sem_alloc : memref<!tpu.dma_semaphore, #tpu.memory_space<semaphore_mem>>
        %dma_start3A_63 = arith.constant 0 : i32
        %dma_start3A_64 = arith.constant 0 : i32
        %dma_start3A_65 = tpu.memref_slice %arg7[%arg0, %dma_start3A_63, %dma_start3A_64] : memref<2x512x256xf32, #tpu.memory_space<hbm>> -> memref<1x512x256xf32, #tpu.memory_space<hbm>>
        %dma_start3A_66 = tpu.memref_squeeze %dma_start3A_65 : memref<1x512x256xf32, #tpu.memory_space<hbm>> -> memref<512x256xf32, #tpu.memory_space<hbm>>
        %dma_start3A_67 = arith.constant 0 : i32
        %dma_start3A_68 = arith.constant 0 : i32
        %dma_start3A_69 = tpu.memref_slice %arg16[%dma_start3A_67, %dma_start3A_68] : memref<544x256xf32, #tpu.memory_space<vmem_shared>> -> memref<512x256xf32, #tpu.memory_space<vmem_shared>>
        tpu.enqueue_dma source(%dma_start3A_69 : memref<512x256xf32, #tpu.memory_space<vmem_shared>>) target(%dma_start3A_66 : memref<512x256xf32, #tpu.memory_space<hbm>>) target_semaphore(%run_scoped3A : memref<!tpu.dma_semaphore, #tpu.memory_space<semaphore_mem>>)
        %dma_wait3A_70 = arith.constant 0 : i32
        %dma_wait3A_71 = arith.constant 0 : i32
        %dma_wait3A_72 = tpu.memref_slice %arg7[%arg0, %dma_wait3A_70, %dma_wait3A_71] : memref<2x512x256xf32, #tpu.memory_space<hbm>> -> memref<1x512x256xf32, #tpu.memory_space<hbm>>
        %dma_wait3A_73 = tpu.memref_squeeze %dma_wait3A_72 : memref<1x512x256xf32, #tpu.memory_space<hbm>> -> memref<512x256xf32, #tpu.memory_space<hbm>>
        %dma_wait3A_74 = arith.constant 0 : i32
        %dma_wait3A_75 = arith.constant 0 : i32
        %dma_wait3A_76 = tpu.memref_slice %arg16[%dma_wait3A_74, %dma_wait3A_75] : memref<544x256xf32, #tpu.memory_space<vmem_shared>> -> memref<512x256xf32, #tpu.memory_space<vmem_shared>>
        tpu.wait_dma2 semaphore(%run_scoped3A : memref<!tpu.dma_semaphore, #tpu.memory_space<semaphore_mem>>) src(%dma_wait3A_76 : memref<512x256xf32, #tpu.memory_space<vmem_shared>>) dst(%dma_wait3A_73 : memref<512x256xf32, #tpu.memory_space<hbm>>)
        tpu.yield
      }) : () -> ()
      "tpu.region"() ({
        %run_scoped3A = tpu.sem_alloc : memref<!tpu.dma_semaphore, #tpu.memory_space<semaphore_mem>>
        %dma_start3A_63 = arith.constant 0 : i32
        %dma_start3A_64 = arith.constant 0 : i32
        %dma_start3A_65 = tpu.memref_slice %arg8[%arg0, %dma_start3A_63, %dma_start3A_64] : memref<2x512x16xf32, #tpu.memory_space<hbm>> -> memref<1x512x16xf32, #tpu.memory_space<hbm>>
        %dma_start3A_66 = tpu.memref_squeeze %dma_start3A_65 : memref<1x512x16xf32, #tpu.memory_space<hbm>> -> memref<512x16xf32, #tpu.memory_space<hbm>>
        %dma_start3A_67 = arith.constant 0 : i32
        %dma_start3A_68 = arith.constant 0 : i32
        %dma_start3A_69 = tpu.memref_slice %arg17[%dma_start3A_67, %dma_start3A_68] : memref<544x16xf32, #tpu.memory_space<vmem_shared>> -> memref<512x16xf32, #tpu.memory_space<vmem_shared>>
        tpu.enqueue_dma source(%dma_start3A_69 : memref<512x16xf32, #tpu.memory_space<vmem_shared>>) target(%dma_start3A_66 : memref<512x16xf32, #tpu.memory_space<hbm>>) target_semaphore(%run_scoped3A : memref<!tpu.dma_semaphore, #tpu.memory_space<semaphore_mem>>)
        %dma_wait3A_70 = arith.constant 0 : i32
        %dma_wait3A_71 = arith.constant 0 : i32
        %dma_wait3A_72 = tpu.memref_slice %arg8[%arg0, %dma_wait3A_70, %dma_wait3A_71] : memref<2x512x16xf32, #tpu.memory_space<hbm>> -> memref<1x512x16xf32, #tpu.memory_space<hbm>>
        %dma_wait3A_73 = tpu.memref_squeeze %dma_wait3A_72 : memref<1x512x16xf32, #tpu.memory_space<hbm>> -> memref<512x16xf32, #tpu.memory_space<hbm>>
        %dma_wait3A_74 = arith.constant 0 : i32
        %dma_wait3A_75 = arith.constant 0 : i32
        %dma_wait3A_76 = tpu.memref_slice %arg17[%dma_wait3A_74, %dma_wait3A_75] : memref<544x16xf32, #tpu.memory_space<vmem_shared>> -> memref<512x16xf32, #tpu.memory_space<vmem_shared>>
        tpu.wait_dma2 semaphore(%run_scoped3A : memref<!tpu.dma_semaphore, #tpu.memory_space<semaphore_mem>>) src(%dma_wait3A_76 : memref<512x16xf32, #tpu.memory_space<vmem_shared>>) dst(%dma_wait3A_73 : memref<512x16xf32, #tpu.memory_space<hbm>>)
        tpu.yield
      }) : () -> ()
    } else {
    }
    return
  }
}

module attributes {stable_mosaic.version = 14 : i64} {
  func.func @_mlp_body(%arg0: memref<2x512x256xf32, #tpu.memory_space<vmem>>, %arg1: memref<2x512x16xf32, #tpu.memory_space<vmem>>, %arg2: memref<512x64xf32, #tpu.memory_space<vmem>>, %arg3: memref<320x320xf32, #tpu.memory_space<vmem>>, %arg4: memref<320xf32, #tpu.memory_space<vmem>>, %arg5: memref<320x320xf32, #tpu.memory_space<vmem>>, %arg6: memref<320xf32, #tpu.memory_space<vmem>>, %arg7: memref<320x128xf32, #tpu.memory_space<vmem>>, %arg8: memref<128xf32, #tpu.memory_space<vmem>>, %arg9: memref<512x128xf32, #tpu.memory_space<vmem>>) attributes {dimension_semantics = [], scalar_prefetch = 0 : i64, scratch_operands = 0 : i64, tpu.core_type = #tpu.core_type<tc>} {
    %get3A = arith.constant 0 : index
    %get3A_0 = arith.constant 0 : index
    %get3A_1 = arith.constant 0 : index
    %get3A_2 = vector.load %arg0[%get3A, %get3A_0, %get3A_1] : memref<2x512x256xf32, #tpu.memory_space<vmem>>, vector<1x512x256xf32>
    %get3A_3 = vector.shape_cast %get3A_2 : vector<1x512x256xf32> to vector<512x256xf32>
    %get3A_4 = arith.constant 1 : index
    %get3A_5 = arith.constant 0 : index
    %get3A_6 = arith.constant 0 : index
    %get3A_7 = vector.load %arg0[%get3A_4, %get3A_5, %get3A_6] : memref<2x512x256xf32, #tpu.memory_space<vmem>>, vector<1x512x256xf32>
    %get3A_8 = vector.shape_cast %get3A_7 : vector<1x512x256xf32> to vector<512x256xf32>
    %add3A = arith.addf %get3A_3, %get3A_8 : vector<512x256xf32>
    %get3A_9 = arith.constant 0 : index
    %get3A_10 = arith.constant 0 : index
    %get3A_11 = arith.constant 0 : index
    %get3A_12 = vector.load %arg1[%get3A_9, %get3A_10, %get3A_11] : memref<2x512x16xf32, #tpu.memory_space<vmem>>, vector<1x512x1xf32>
    %get3A_13 = vector.shape_cast %get3A_12 : vector<1x512x1xf32> to vector<512x1xf32>
    %get3A_14 = arith.constant 1 : index
    %get3A_15 = arith.constant 0 : index
    %get3A_16 = arith.constant 0 : index
    %get3A_17 = vector.load %arg1[%get3A_14, %get3A_15, %get3A_16] : memref<2x512x16xf32, #tpu.memory_space<vmem>>, vector<1x512x1xf32>
    %get3A_18 = vector.shape_cast %get3A_17 : vector<1x512x1xf32> to vector<512x1xf32>
    %add3A_19 = arith.addf %get3A_13, %get3A_18 : vector<512x1xf32>
    %max3A = arith.constant 1.000000e+00 : f32
    %max3A_20 = vector.broadcast %max3A : f32 to vector<512x1xf32>
    %max3A_21 = arith.maximumf %add3A_19, %max3A_20 : vector<512x1xf32>
    %div3A = vector.broadcast %max3A_21 : vector<512x1xf32> to vector<512x256xf32>
    %div3A_22 = arith.divf %add3A, %div3A : vector<512x256xf32>
    %get3A_23 = arith.constant 0 : index
    %get3A_24 = arith.constant 0 : index
    %get3A_25 = vector.load %arg3[%get3A_23, %get3A_24] : memref<320x320xf32, #tpu.memory_space<vmem>>, vector<256x320xf32>
    %dot_general3A = arith.constant dense<0.000000e+00> : vector<512x320xf32>
    %dot_general3A_26 = tpu.matmul %div3A_22, %get3A_25, %dot_general3A {dimension_numbers = #tpu.dot_dimension_numbers<[1], [0], [0], [1], [0, 0, 1, 1], [], []>, precision = #tpu.contract_precision<fp32>, transpose_lhs_hint = false} : vector<512x256xf32>, vector<256x320xf32>, vector<512x320xf32> -> vector<512x320xf32>
    %get3A_27 = arith.constant 0 : index
    %get3A_28 = arith.constant 0 : index
    %get3A_29 = vector.load %arg2[%get3A_27, %get3A_28] : memref<512x64xf32, #tpu.memory_space<vmem>>, vector<512x64xf32>
    %get3A_30 = arith.constant 256 : index
    %get3A_31 = arith.constant 0 : index
    %get3A_32 = vector.load %arg3[%get3A_30, %get3A_31] : memref<320x320xf32, #tpu.memory_space<vmem>>, vector<64x320xf32>
    %dot_general3A_33 = arith.constant dense<0.000000e+00> : vector<512x320xf32>
    %dot_general3A_34 = tpu.matmul %get3A_29, %get3A_32, %dot_general3A_33 {dimension_numbers = #tpu.dot_dimension_numbers<[1], [0], [0], [1], [0, 0, 1, 1], [], []>, precision = #tpu.contract_precision<fp32>, transpose_lhs_hint = false} : vector<512x64xf32>, vector<64x320xf32>, vector<512x320xf32> -> vector<512x320xf32>
    %add3A_35 = arith.addf %dot_general3A_26, %dot_general3A_34 : vector<512x320xf32>
    %get3A_36 = arith.constant 0 : index
    %get3A_37 = vector.load %arg4[%get3A_36] : memref<320xf32, #tpu.memory_space<vmem>>, vector<320xf32>
    %broadcast_in_dim3A = vector.shape_cast %get3A_37 : vector<320xf32> to vector<1x320xf32>
    %add3A_38 = vector.broadcast %broadcast_in_dim3A : vector<1x320xf32> to vector<512x320xf32>
    %add3A_39 = arith.addf %add3A_35, %add3A_38 : vector<512x320xf32>
    %gt3A = arith.constant 0.000000e+00 : f32
    %gt3A_40 = vector.broadcast %gt3A : f32 to vector<512x320xf32>
    %gt3A_41 = arith.cmpf ogt, %add3A_39, %gt3A_40 : vector<512x320xf32>
    %min3A = arith.constant 0.000000e+00 : f32
    %min3A_42 = vector.broadcast %min3A : f32 to vector<512x320xf32>
    %min3A_43 = arith.minimumf %add3A_39, %min3A_42 : vector<512x320xf32>
    %exp3A = math.exp %min3A_43 : vector<512x320xf32>
    %sub3A = arith.constant 1.000000e+00 : f32
    %sub3A_44 = vector.broadcast %sub3A : f32 to vector<512x320xf32>
    %sub3A_45 = arith.subf %exp3A, %sub3A_44 : vector<512x320xf32>
    %select_n3A = arith.select %gt3A_41, %add3A_39, %sub3A_45 : vector<512x320xi1>, vector<512x320xf32>
    %get3A_46 = arith.constant 0 : index
    %get3A_47 = arith.constant 0 : index
    %get3A_48 = vector.load %arg5[%get3A_46, %get3A_47] : memref<320x320xf32, #tpu.memory_space<vmem>>, vector<320x320xf32>
    %dot_general3A_49 = arith.constant dense<0.000000e+00> : vector<512x320xf32>
    %dot_general3A_50 = tpu.matmul %select_n3A, %get3A_48, %dot_general3A_49 {dimension_numbers = #tpu.dot_dimension_numbers<[1], [0], [0], [1], [0, 0, 1, 1], [], []>, precision = #tpu.contract_precision<fp32>, transpose_lhs_hint = false} : vector<512x320xf32>, vector<320x320xf32>, vector<512x320xf32> -> vector<512x320xf32>
    %get3A_51 = arith.constant 0 : index
    %get3A_52 = vector.load %arg6[%get3A_51] : memref<320xf32, #tpu.memory_space<vmem>>, vector<320xf32>
    %broadcast_in_dim3A_53 = vector.shape_cast %get3A_52 : vector<320xf32> to vector<1x320xf32>
    %add3A_54 = vector.broadcast %broadcast_in_dim3A_53 : vector<1x320xf32> to vector<512x320xf32>
    %add3A_55 = arith.addf %dot_general3A_50, %add3A_54 : vector<512x320xf32>
    %gt3A_56 = arith.constant 0.000000e+00 : f32
    %gt3A_57 = vector.broadcast %gt3A_56 : f32 to vector<512x320xf32>
    %gt3A_58 = arith.cmpf ogt, %add3A_55, %gt3A_57 : vector<512x320xf32>
    %min3A_59 = arith.constant 0.000000e+00 : f32
    %min3A_60 = vector.broadcast %min3A_59 : f32 to vector<512x320xf32>
    %min3A_61 = arith.minimumf %add3A_55, %min3A_60 : vector<512x320xf32>
    %exp3A_62 = math.exp %min3A_61 : vector<512x320xf32>
    %sub3A_63 = arith.constant 1.000000e+00 : f32
    %sub3A_64 = vector.broadcast %sub3A_63 : f32 to vector<512x320xf32>
    %sub3A_65 = arith.subf %exp3A_62, %sub3A_64 : vector<512x320xf32>
    %select_n3A_66 = arith.select %gt3A_58, %add3A_55, %sub3A_65 : vector<512x320xi1>, vector<512x320xf32>
    %get3A_67 = arith.constant 0 : index
    %get3A_68 = arith.constant 0 : index
    %get3A_69 = vector.load %arg7[%get3A_67, %get3A_68] : memref<320x128xf32, #tpu.memory_space<vmem>>, vector<320x128xf32>
    %dot_general3A_70 = arith.constant dense<0.000000e+00> : vector<512x128xf32>
    %dot_general3A_71 = tpu.matmul %select_n3A_66, %get3A_69, %dot_general3A_70 {dimension_numbers = #tpu.dot_dimension_numbers<[1], [0], [0], [1], [0, 0, 1, 1], [], []>, precision = #tpu.contract_precision<fp32>, transpose_lhs_hint = false} : vector<512x320xf32>, vector<320x128xf32>, vector<512x128xf32> -> vector<512x128xf32>
    %get3A_72 = arith.constant 0 : index
    %get3A_73 = vector.load %arg8[%get3A_72] : memref<128xf32, #tpu.memory_space<vmem>>, vector<128xf32>
    %broadcast_in_dim3A_74 = vector.shape_cast %get3A_73 : vector<128xf32> to vector<1x128xf32>
    %add3A_75 = vector.broadcast %broadcast_in_dim3A_74 : vector<1x128xf32> to vector<512x128xf32>
    %add3A_76 = arith.addf %dot_general3A_71, %add3A_75 : vector<512x128xf32>
    %swap3A = arith.constant 0 : index
    %swap3A_77 = arith.constant 0 : index
    %swap3A_78 = vector.load %arg9[%swap3A, %swap3A_77] : memref<512x128xf32, #tpu.memory_space<vmem>>, vector<512x128xf32>
    tpu.vector_store %arg9[%swap3A, %swap3A_77], %add3A_76 {strides = array<i32>} : memref<512x128xf32, #tpu.memory_space<vmem>>, vector<512x128xf32>,
    return
  }
}

</mosaic_0001>

<sc_bundles>
// kernel: kernel.4.cloned.1.call-start
scs
__scs_entry_jumppad:
0x0: {  	(pc) =	sbr.rel $0x88, $3  }
0x1: {  	(tag) =	ssettag $0x0;
	lr =	simm.s32 $0x1  }
0x2: {  	[smem:$0x3F98] =	sst lr;
	_ =	strace $0xD0000000  }
0x3: {  	_ = 	snop  }
0x4: {  	_ = 	snop  }
0x5: {  	_ = 	snop  }
0x6: {  	_ = 	snop  }
0x7: {  	_ = 	snop  }
__scs_overlays_trampoline_lowered:
0x8: {  	[smem:$0x3FA7] =	sst s0  }
0x9: {  	[smem:$0x3FA8] =	sst s1  }
0xa: {  	[smem:$0x3FA9] =	sst s2  }
0xb: {  	[smem:$0x3FAA] =	sst s3  }
0xc: {  	[smem:$0x3FAB] =	sst s4  }
0xd: {  	[smem:$0x3FAC] =	sst s5  }
0xe: {  	[smem:$0x3FAD] =	sst s6  }
0xf: {  	[smem:$0x3FAE] =	sst s7  }
0x10: {  	[smem:$0x3FAF] =	sst s8  }
0x11: {  	[smem:$0x3FB0] =	sst s9;
	s0 =	simm.s32 @!p0 $0x0  }
0x12: {  	s1 =	sld [smem:$0x3F96];
	s0 =	simm.s32 @p0 $0x1  }
0x13: {  	[smem:$0x3FB1] =	sst s0;
	s0 =	simm.s32 @!p1 $0x0  }
0x14: {  	s2 =	sld [smem:$0x3F95];
	s0 =	simm.s32 @p1 $0x1  }
0x15: {  	[smem:$0x3FB2] =	sst s0;
	s0 =	simm.s32 @!p2 $0x0  }
0x16: {  	s3 =	sld [smem:$0x3FDB];
	s0 =	simm.s32 @p2 $0x1  }
0x17: {  	s4 =	simm.s32 $0x1BF5;
	[smem:$0x3FB4] =	sst s0  }
0x18: {  	s0 =	sld [smem:$0x3F97];
	_ =	swait.ge [sflag:s4], $0x0  }
0x19: {  	s7 =	sld [smem:$0x3F98]  }
0x1a: {  	s8 =	sadd.s32 $0xFFFFE003, lr  }
0x1b: {  	s9 =	sadd.s32 $0xFFFFFEF7, lr;
	s5 =	simm.s32 $0xFFFFFFFF;
	p2 =	slt.u32 s8, $0xFFFFF086  }
0x1c: {  	p1 =	slt.u32 s9, $0xF7A;
	s5 =	simm.s32 @!p2 $0x0  }
0x1d: {  	s5 =	simm.s32 @p1 $0x1;
	p0 =	seq.s32 s7, s2  }
0x1e: {  	s7 =	smul.u32 @!p0 $0xF7A, s2;
	p2 =	seq.s32 @!p0 s5, $0x0  }
0x1f: {  	s9 =	smul.u32 $0xF7A, s1;
	s8 =	simm.s32 @!p0 $0x1BF5;
	p2 =	por !p2, p0  }
0x20: {  	[sflag:s8] =	ssyncset.s32 @!p0 $0xFFFFF086;
	s6 =	sadd.s32 @!p0 s3, s7;
	s7 =	simm.s32 @!p0 $0x108  }
0x21: {  	s3 =	sadd.s32 s3, s9;
	s6 =	sadd.s32 @!p0 $0x88, s6;
	s7 =	simm.s32 @p2 $0x1082  }
0x22: {  	[simem:s7], [sflag:s8] =	dma.local @!p0 [hbm:s6], $0xF7A  }
0x23: {  	s9 =	sor.u32 $0xD0000000, s2;
	s6 =	simm.s32 $0x108;
	_ =	swait.ge @!p0 [sflag:s8], $0x0  }
0x24: {  	s3 =	sadd.s32 $0x88, s3;
	s6 =	simm.s32 @!p1 $0x1082;
	[sflag:s4] =	ssyncset.s32 $0xFFFFF086  }
0x25: {  	[simem:s6], [sflag:s4] =	dma.local [hbm:s3], $0xF7A  }
0x26: {  	[smem:$0x3F98] =	sst s1;
	(tag) =	ssettag s2;
	_ =	strace s9  }
0x27: {  	s1 =	sld [smem:$0x3FA8]  }
0x28: {  	s2 =	sld [smem:$0x3FA9]  }
0x29: {  	s4 =	sld [smem:$0x3FAB]  }
0x2a: {  	p0 =	seq.s32 s5, $0x0;
	s5 =	sld [smem:$0x3FAC]  }
0x2b: {  	s6 =	sld [smem:$0x3FAD]  }
0x2c: {  	s7 =	sld [smem:$0x3FAE]  }
0x2d: {  	s3 =	simm.s32 $0x108;
	s8 =	sld [smem:$0x3FAF]  }
0x2e: {  	s3 =	simm.s32 @!p0 $0x1082;
	s9 =	sld [smem:$0x3FB0]  }
0x2f: {  	lr =	sadd.s32 s0, s3;
	s0 =	sld [smem:$0x3FA7]  }
0x30: {  	s3 =	sld [smem:$0x3FAA]  }
0x31: {  	[smem:$0x3FB3] =	sst s10  }
0x32: {  	s10 =	sld [smem:$0x3FB1];
	_ =	sdelay $0x3  }
0x33: {  	p0 =	seq.s32 s10, $0x1;
	s10 =	sld [smem:$0x3FB3];
	_ =	sdelay $0x3  }
0x34: {  	[smem:$0x3FB3] =	sst s10  }
0x35: {  	s10 =	sld [smem:$0x3FB2];
	_ =	sdelay $0x3  }
0x36: {  	p1 =	seq.s32 s10, $0x1;
	s10 =	sld [smem:$0x3FB3];
	_ =	sdelay $0x3  }
0x37: {  	[smem:$0x3FB3] =	sst s10  }
0x38: {  	s10 =	sld [smem:$0x3FB4]  }
0x39: {  	_ = 	snop;
	(pc) =	sbr.ind lr, $3  }
0x3a: {  	_ = 	snop  }
0x3b: {  	_ = 	snop  }
0x3c: {  	p2 =	seq.s32 s10, $0x1;
	s10 =	sld [smem:$0x3FB3]  }
0x3d: {  	_ =	shalt  }
0x3e: {  	_ =	shalt  }
0x3f: {  	_ =	shalt  }
0x40: {  	_ =	shalt  }
0x41: {  	_ =	shalt  }
0x42: {  	_ =	shalt  }
0x43: {  	_ =	shalt  }
0x44: {  	_ =	shalt  }
0x45: {  	_ =	shalt  }
0x46: {  	_ =	shalt  }
0x47: {  	_ =	shalt  }
0x48: {  	_ =	shalt  }
0x49: {  	_ =	shalt  }
0x4a: {  	_ =	shalt  }
0x4b: {  	_ =	shalt  }
0x4c: {  	_ =	shalt  }
0x4d: {  	_ =	shalt  }
0x4e: {  	_ =	shalt  }
0x4f: {  	_ =	shalt  }
0x50: {  	_ =	shalt  }
0x51: {  	_ =	shalt  }
0x52: {  	_ =	shalt  }
0x53: {  	_ =	shalt  }
0x54: {  	_ =	shalt  }
0x55: {  	_ =	shalt  }
0x56: {  	_ =	shalt  }
0x57: {  	_ =	shalt  }
0x58: {  	_ =	shalt  }
0x59: {  	_ =	shalt  }
0x5a: {  	_ =	shalt  }
0x5b: {  	_ =	shalt  }
0x5c: {  	_ =	shalt  }
0x5d: {  	_ =	shalt  }
0x5e: {  	_ =	shalt  }
0x5f: {  	_ =	shalt  }
0x60: {  	_ =	shalt  }
0x61: {  	_ =	shalt  }
0x62: {  	_ =	shalt  }
0x63: {  	_ =	shalt  }
0x64: {  	_ =	shalt  }
0x65: {  	_ =	shalt  }
0x66: {  	_ =	shalt  }
0x67: {  	_ =	shalt  }
0x68: {  	_ =	shalt  }
0x69: {  	_ =	shalt  }
0x6a: {  	_ =	shalt  }
0x6b: {  	_ =	shalt  }
0x6c: {  	_ =	shalt  }
0x6d: {  	_ =	shalt  }
0x6e: {  	_ =	shalt  }
0x6f: {  	_ =	shalt  }
0x70: {  	_ =	shalt  }
0x71: {  	_ =	shalt  }
0x72: {  	_ =	shalt  }
0x73: {  	_ =	shalt  }
0x74: {  	_ =	shalt  }
0x75: {  	_ =	shalt  }
0x76: {  	_ =	shalt  }
0x77: {  	_ =	shalt  }
0x78: {  	_ =	shalt  }
0x79: {  	_ =	shalt  }
0x7a: {  	_ =	shalt  }
0x7b: {  	_ =	shalt  }
0x7c: {  	_ =	shalt  }
0x7d: {  	_ =	shalt  }
0x7e: {  	_ =	shalt  }
0x7f: {  	_ =	shalt  }
0x80: {  	_ =	shalt  }
0x81: {  	_ =	shalt  }
0x82: {  	_ =	shalt  }
0x83: {  	_ =	shalt  }
0x84: {  	_ =	shalt  }
0x85: {  	_ =	shalt  }
0x86: {  	_ =	shalt  }
0x87: {  	_ =	shalt  }
.Lfunc_end0:
.L_simem_size_0:
called_computation.1_lowered:
.L_overlay_start_0:
0x88: {  	s2 =	sld [smem:$0x3FD9]  }
0x89: {  	s3 =	sld [smem:$0x3FFE];
	_ =	sdelay $0x1  }
0x8a: {  	s1 =	srdreg.scid  }
0x8b: {  	s0 =	sand.u32 $0x1, s1  }
0x8c: {  	s17 =	sshll.u32 s0, $0xA;
	s2 =	sadd.s32 s3, s2  }
0x8d: {  	s2 =	sadd.s32 s2, s17  }
0x8e: {  	[smem:$0x3FBF] =	sst s2  }
0x8f: {  	_ = 	snop  }
0x90: {  	s2 =	sld [smem:$0x3FD0];
	(tm) =	ssettm $0x1  }
0x91: {  	s18 =	sld [smem:$0x3FFB];
	_ =	sdelay $0x3  }
0x92: {  	_ =	strace s18  }
0x93: {  	s3 =	sld [smem:$0x3FFC];
	_ =	sdelay $0x3  }
0x94: {  	_ =	strace s3  }
0x95: {  	s3 =	sld [smem:$0x3FFD];
	_ =	sdelay $0x3  }
0x96: {  	_ =	strace s3  }
0x97: {  	_ =	strace $0x8FFFFFFF  }
0x98: {  	s19 =	sld [smem:$0x3FDB];
	_ =	sdelay $0x1  }
0x99: {  	s4 =	simm.s32 $_scs_section_size  }
0x9a: {  	s5 =	simm.s32 $_size__tile_overlayer_lowered;
	s6 =	simm.s32 $_tile_overlayer_lowered  }
0x9b: {  	s22 =	simm.s32 $0x1BFF;
	s21 =	sshll.u32 s6, $0x1;
	s3 =	sadd.s32 s4, s19  }
0x9c: {  	s7 =	simm.s32 $0x0;
	s20 =	sshll.u32 s5, $0x1;
	s5 =	sadd.s32 s21, s3  }
0x9d: {  	[timem:s7], [sflag:s22] =	dma.local [hbm:s5], s20  }
0x9e: {  	_ =	swait.ge [sflag:s22], s20  }
0x9f: {  	s4 =	ssub.s32 $0x0, s20;
	[sflag:s22] =	ssyncset.done $0x0  }
0xa0: {  	[sflag:s22] =	ssyncadd.s32 s4;
	_ =	sdelay $0x1  }
0xa1: {  	s23 =	simm.s32 $0x1B8B  }
0xa2: {  	_ =	swait.ge [sflag:s23], $0x1  }
0xa3: {  	[sflag:s23] =	ssyncset.done $0x0  }
0xa4: {  	s25 =	simm.s32 $0x1B8E;
	s24 =	sld [smem:$0x3FFE];
	[sflag:s23] =	ssyncadd.s32 $0xFFFFFFFF  }
0xa5: {  	s26 =	simm.s32 $execute0_lowered;
	[smem:$0x3FD2] =	sst s25  }
0xa6: {  	s5 =	sshll.u32 s26, $0x1;
	_ =	strace $0x80000049;
	[dreg:$0x1] =	wrdreg $0xFFFFFFFF  }
0xa7: {  	s28 =	simm.s32 $_size_execute0_lowered;
	s3 =	sadd.s32 s3, s5;
	[dreg:$0x0] =	wrdreg $0x0  }
0xa8: {  	s5 =	sshll.u32 s28, $0x1;
	[dreg:$0x2] =	wrdreg s3  }
0xa9: {  	[dreg:$0x3] =	wrdreg s5  }
0xaa: {  	[dreg:$0x4] =	wrdreg $0xC0  }
0xab: {  	_ =	task [dreg:s7], $0x5FFFF  }
0xac: {  	[dreg:$0x1] =	wrdreg $0xFFFFFFFF  }
0xad: {  	[dreg:$0x0] =	wrdreg $0x60  }
0xae: {  	[dreg:$0x2] =	wrdreg s24  }
0xaf: {  	[dreg:$0x3] =	wrdreg s2  }
0xb0: {  	[dreg:$0x4] =	wrdreg $0x189800  }
0xb1: {  	[dreg:$0x5] =	wrdreg $0x1AB800  }
0xb2: {  	[dreg:$0x6] =	wrdreg $0x9  }
0xb3: {  	_ =	task.clear_ibuf [dreg:s7], $0x7FFFF;
	_ =	strace $0x90000049  }
0xb4: {  	s29 =	simm.s32 $0x9;
	_ =	strace $0x8000004B  }
0xb5: {  	_ =	swait.ge [sflag:s29], $0x1  }
0xb6: {  	[sflag:s29] =	ssyncadd.s32 $0xFFFFFFFF  }
0xb7: {  	_ =	strace $0x9000004B  }
0xb8: {  	_ =	sfence  }
0xb9: {  	s30 =	sld [smem:$0x0];
	_ =	sdelay $0x2  }
0xba: {  	s31 =	sshll.u32 s1, $0xD;
	s1 =	sshrl.u32 s1, $0x2  }
0xbb: {  	s3 =	sand.u32 $0x4000, s31;
	s1 =	sadd.s32 s1, s30  }
0xbc: {  	s0 =	sor.u32 s3, s0;
	s1 =	sshll.u32 s1, $0x11  }
0xbd: {  	s0 =	sor.u32 s1, s0  }
0xbe: {  	s0 =	sadd.s32 $0x8F2B, s0  }
0xbf: {  	[sflag:s0] =	ssyncadd.remote.s32 $0x1  }
0xc0: {  	_ =	sfence.sel $0xFFFF  }
0xc1: {  	[dreg:$0x0] =	wrdreg $0xFFFFFFFF;
	(pc) =	sbr.abs _section_cstart, $3  }
0xc2: {  	[dreg:$0x1] =	wrdreg $0xFFFFFFFF  }
0xc3: {  	_ =	task.clear_ibuf [dreg:s7], $0x2FFFF;
	_ =	strace $0x9FFFFFFF  }
0xc4: {  	(tm) =	ssettm $0x7FFFFFFF  }
0xc5: {  	_ =	shalt  }
tec
execute0_lowered:
.L_overlay_start_1:
0x0: {  	(tag) =	ssettag $0x1  }
0x1: {  	s0 =	rddreg [dreg:$0x0]  }
0x2: {  	s5 =	rddreg [dreg:$0x1]  }
0x3: {  	s1 =	rddreg [dreg:$0x2]  }
0x4: {  	s2 =	rddreg [dreg:$0x3];
	s3 =	simm.s32 $0x0  }
0x5: {  	s6 =	stileid.u32;
	s4 =	srdreg.scid;
	s31 =	simm.s32 $0x1  }
0x6: {  	[smem:$0x7FF] =	sst s3;
	s13 =	smul.u32 $0x220, s6;
	s15 =	sadd.s32 $0x1800, s0  }
0x7: {  	s14 =	sand.u32 $0x1, s4;
	s17 =	sadd.s32 $0x30EC00, s0;
	s4 =	sadd.s32 $0x311E00, s0  }
0x8: {  	s16 =	sshll.u32 s6, $0x1;
	s9 =	sadd.s32 $0x316800, s0;
	s22 =	smul.u32 $0x2200, s6  }
0x9: {  	p0 =	sne.s32 s6, $0x0;
	_ =	strace $0x8000004A;
	s8 =	sor.u32 s14, s16  }
0xa: {  	[dreg:$0x5] =	wrdreg s9;
	s19 =	sshll.u32 s14, $0xE;
	s18 =	smul.u32 $0x19, s8  }
0xb: {  	s11 =	ssub.s32 $0x2, s14;
	s9 =	sshll.u32 s6, $0x6;
	s10 =	smul.u32 $0x190, s8  }
0xc: {  	s7 =	sshrl.u32 s13, $0x3;
	s8 =	smul.u32 $0x186A0, s8;
	s20 =	sshrl.u32 s11, $0x1  }
0xd: {  	s12 =	sadd.s32 s7, s0;
	s0 =	sadd.s32 s19, s0;
	s19 =	sadd.s32 s22, s1  }
0xe: {  	s7 =	sadd.s32 $0x1, s18;
	s18 =	ssub.s32 s11, s20;
	s23 =	sadd.s32 s17, s10  }
0xf: {  	s24 =	sadd.s32 s15, s8;
	s10 =	smul.u32 $0x32, s6;
	s11 =	sor.u32 $0x1C07, s9  }
0x10: {  	s20 =	smul.u32 $0x19, s14;
	s0 =	sadd.s32 $0x316A00, s0;
	[dreg:$0x6] =	wrdreg s23  }
0x11: {  	s16 =	smul.u32 $0xFA0, s7;
	s21 =	sshll.u32 s7, $0x4;
	[dreg:$0x7] =	wrdreg s24  }
0x12: {  	s7 =	sshrl.u32 s22, $0x3;
	s23 =	sadd.s32 $0x316200, s12;
	[dreg:$0xc] =	wrdreg s0  }
0x13: {  	s24 =	smul.u32 $0x30D40, s6;
	s22 =	sshll.u32 s14, $0xA;
	s25 =	sadd.s32 s17, s21  }
0x14: {  	s8 =	sadd.s32 s4, s7;
	[dreg:$0xb] =	wrdreg s23;
	s21 =	sadd.s32 s13, s2  }
0x15: {  	s23 =	smul.u32 $0x186A0, s14;
	s5 =	sadd.s32 s5, s22;
	[dreg:$0x8] =	wrdreg s25  }
0x16: {  	s22 =	simm.s32 $0x0;
	s26 =	sadd.s32 s15, s16;
	[dreg:$0xa] =	wrdreg s8  }
0x17: {  	s16 =	sadd.s32 s20, s10;
	[dreg:$0xd] =	wrdreg s5;
	s0 =	sadd.s32 s24, s15  }
0x18: {  	s15 =	smax.u32 s18, $0x1;
	s20 =	simm.s32 $0x18000;
	s24 =	simm.s32 $0x7  }
0x19: {  	[dreg:$0x9] =	wrdreg s26;
	s25 =	sshll.u32 s16, $0x4;
	s16 =	sadd.s32 s23, s0  }
0x1a: {  	s23 =	sshrl.u32 s19, $0x3;
	s0 =	simm.s32 $0x80;
	s26 =	sadd.s32 s25, s17  }
0x1b: {  	s25 =	sshrl.u32 s21, $0x3;
	s21 =	simm.s32 $0x4;
	s30 =	sadd.s32 $0x40, s26  }
0x1c: {  	s29 =	sadd.s32 $0x30, s26;
	s28 =	sadd.s32 $0x20, s26;
	s26 =	simm.s32 $0x18180  }
.LBB2_1:
0x1d: {  	s5 =	rddreg [dreg:$0x6]  }
0x1e: {  	s7 =	rddreg [dreg:$0x7]  }
0x1f: {  	[tilespmem:s20], [sflag:$0x1] =	stream.linear.gather [hbm4b:s5+s3], $0x80, $0x38;
	[tilespmem:$0x1ADA0] =	vst v63  }
0x20: {  	s8 =	rddreg [dreg:$0x8]  }
0x21: {  	[tilespmem:s3], [sflag:$0x1] =	stream.linear.gather [hbm4b:s7+s3], $0x7D00, $0x38;
	[tilespmem:$0x1ADA0] =	vst v63  }
0x22: {  	s6 =	simm.s32 $0x18080;
	s9 =	rddreg [dreg:$0x9]  }
0x23: {  	[tilespmem:s6], [sflag:$0x2] =	stream.linear.gather [hbm4b:s8+s3], $0x80, $0x38;
	[tilespmem:$0x1ADA0] =	vst v63  }
0x24: {  	s10 =	simm.s32 $0x8000;
	s12 =	rddreg [dreg:$0xa]  }
0x25: {  	[tilespmem:s10], [sflag:$0x2] =	stream.linear.gather [hbm4b:s9+s3], $0x7D00, $0x38;
	[tilespmem:$0x1ADA0] =	vst v63  }
0x26: {  	[spmem:s23], [sflag:s11] =	dma.local [hbm:s12], $0x440  }
0x27: {  	_ =	swait.ge [sflag:s24], $0x440  }
0x28: {  	[sflag:s24] =	ssyncset.done $0x0  }
0x29: {  	s13 =	rddreg [dreg:$0xb];
	[sflag:s24] =	ssyncadd.s32 $0xFFFFFBC0  }
0x2a: {  	[spmem:s25], [sflag:s11] =	dma.local [hbm:s13], $0x44  }
0x2b: {  	_ =	swait.ge [sflag:s24], $0x44  }
0x2c: {  	[sflag:s24] =	ssyncset.done $0x0  }
0x2d: {  	s14 =	rddreg [dreg:$0x5];
	[sflag:s24] =	ssyncadd.s32 $0xFFFFFFBC  }
0x2e: {  	[tilespmem:s26], [sflag:$0x7] =	stream.linear.gather [hbm4b:s14+s3], $0x800, $0x38;
	[tilespmem:$0x1ADA0] =	vst v63  }
0x2f: {  	_ =	swait.ge [sflag:s24], $0x800  }
0x30: {  	[sflag:s24] =	ssyncset.done $0x0  }
0x31: {  	s17 =	simm.s32 $0x7D00;
	[sflag:s24] =	ssyncadd.s32 $0xFFFFF800  }
0x32: {  	[tilespmem:s17], [sflag:$0x7] =	stream.linear.gather [hbm4b:s4+s3], $0x300, $0x38;
	[tilespmem:$0x1ADA0] =	vst v63  }
0x33: {  	_ =	swait.ge [sflag:s24], $0x300  }
0x34: {  	[sflag:s24] =	ssyncset.done $0x0  }
0x35: {  	s18 =	simm.s32 $0xFD00;
	[sflag:s24] =	ssyncadd.s32 $0xFFFFFD00  }
0x36: {  	[tilespmem:s18], [sflag:$0x7] =	stream.linear.gather [hbm4b:s4+s3], $0x300, $0x38;
	[tilespmem:$0x1ADA0] =	vst v63  }
0x37: {  	_ =	swait.ge [sflag:s24], $0x300  }
0x38: {  	[sflag:s24] =	ssyncset.done $0x0  }
0x39: {  	s19 =	simm.s32 $0x17D00;
	[sflag:s24] =	ssyncadd.s32 $0xFFFFFD00  }
0x3a: {  	[tilespmem:s19], [sflag:$0x7] =	stream.linear.gather [hbm4b:s4+s3], $0x300, $0x38;
	[tilespmem:$0x1ADA0] =	vst v63  }
0x3b: {  	_ =	swait.ge [sflag:s24], $0x300  }
0x3c: {  	s5 =	simm.s32 $0x0;
	[sflag:s24] =	ssyncset.done $0x0  }
0x3d: {  	s6 =	simm.s32 $0x0;
	s17 =	smov.u32 s30;
	[sflag:s24] =	ssyncadd.s32 $0xFFFFFD00  }
0x3e: {  	s18 =	smov.u32 s29;
	s19 =	smov.u32 s28;
	[bflag:$0x0] =	sbarrier.arrive $0xFFFF  }
.LBB2_2:
0x3f: {  	_ =	swait.ge [sflag:s31], $0x80  }
0x40: {  	[sflag:s31] =	ssyncset.done $0x0  }
0x41: {  	[sflag:s31] =	ssyncadd.s32 $0xFFFFFF80  }
0x42: {  	_ =	swait.ge [sflag:s31], $0x7D00  }
0x43: {  	[sflag:s31] =	ssyncset.done $0x0  }
0x44: {  	p2 =	seq.s32 s5, $0x0;
	[sflag:s31] =	ssyncadd.s32 $0xFFFF8300  }
0x45: {  	[spmem:s1] =	stream.indirect.scatter.add.f32 [tilespmem:s3], [sflag:$0x4], $0x100, s20, s0, $0xb8;
	[tilespmem:$0x1ADA0] =	vst v63  }
0x46: {  	s7 =	simm.s32 @!p2 $0x6  }
0x47: {  	[spmem:s2] =	stream.indirect.scatter.add.f32 [tilespmem:s26], [sflag:$0x4], $0x10, s20, s0, $0xb8;
	[tilespmem:$0x1ADA0] =	vst v63  }
0x48: {  	_ =	swait.ge @!p2 [sflag:s7], $0x8000  }
0x49: {  	[sflag:s7] =	ssyncset.done @!p2 $0x0  }
0x4a: {  	p1 =	seq.s32 @!p2 s5, $0x17700;
	[sflag:s7] =	ssyncadd.s32 @!p2 $0xFFFF8000  }
0x4b: {  	p1 =	por p2, !p1;
	_ =	swait.ge @!p2 [sflag:s7], $0x800  }
0x4c: {  	s8 =	simm.s32 @p1 $0x18100;
	[sflag:s7] =	ssyncset.done @!p2 $0x0  }
0x4d: {  	s9 =	sadd.s32 @p1 s5, s16;
	[sflag:s7] =	ssyncadd.s32 @!p2 $0xFFFFF800;
	s7 =	simm.s32 @p1 $0x0  }
0x4e: {  	[tilespmem:s8], [sflag:$0x3] =	stream.linear.gather @p1 [hbm4b:s19+s7], $0x80, $0x38;
	[tilespmem:$0x1ADA0] =	vst v63  }
0x4f: {  	s12 =	simm.s32 @p1 $0x10000;
	s10 =	sadd.s32 @p1 $0x1F40, s9  }
0x50: {  	[tilespmem:s12], [sflag:$0x3] =	stream.linear.gather @p1 [hbm4b:s10+s7], $0x7D00, $0x38;
	[tilespmem:$0x1ADA0] =	vst v63  }
0x51: {  	s10 =	simm.s32 @p1 $0x2  }
0x52: {  	_ =	swait.ge @p1 [sflag:s10], $0x80  }
0x53: {  	[sflag:s10] =	ssyncset.done @p1 $0x0  }
0x54: {  	[sflag:s10] =	ssyncadd.s32 @p1 $0xFFFFFF80  }
0x55: {  	_ =	swait.ge @p1 [sflag:s10], $0x7D00  }
0x56: {  	s13 =	simm.s32 @p1 $0x18080;
	[sflag:s10] =	ssyncset.done @p1 $0x0  }
0x57: {  	s14 =	simm.s32 @p1 $0x8000;
	[sflag:s10] =	ssyncadd.s32 @p1 $0xFFFF8300;
	s10 =	simm.s32 @p1 $0x80  }
0x58: {  	[spmem:s1] =	stream.indirect.scatter.add.f32 @p1 [tilespmem:s14], [sflag:$0x5], $0x100, s13, s10, $0xb8;
	[tilespmem:$0x1ADA0] =	vst v63  }
0x59: {  	s14 =	simm.s32 @p1 $0x18180  }
0x5a: {  	[spmem:s2] =	stream.indirect.scatter.add.f32 @p1 [tilespmem:s14], [sflag:$0x5], $0x10, s13, s10, $0xb8;
	[tilespmem:$0x1ADA0] =	vst v63  }
0x5b: {  	s13 =	simm.s32 @p1 $0x4  }
0x5c: {  	_ =	swait.ge @p1 [sflag:s13], $0x8000  }
0x5d: {  	[sflag:s13] =	ssyncset.done @p1 $0x0  }
0x5e: {  	[sflag:s13] =	ssyncadd.s32 @p1 $0xFFFF8000  }
0x5f: {  	_ =	swait.ge @p1 [sflag:s13], $0x800  }
0x60: {  	[sflag:s13] =	ssyncset.done @p1 $0x0  }
0x61: {  	[sflag:s13] =	ssyncadd.s32 @p1 $0xFFFFF800;
	s13 =	simm.s32 @p1 $0x18000  }
0x62: {  	[tilespmem:s13], [sflag:$0x1] =	stream.linear.gather @p1 [hbm4b:s18+s7], $0x80, $0x38;
	[tilespmem:$0x1ADA0] =	vst v63  }
0x63: {  	s9 =	sadd.s32 @p1 $0x2EE0, s9  }
0x64: {  	[tilespmem:s7], [sflag:$0x1] =	stream.linear.gather @p1 [hbm4b:s9+s7], $0x7D00, $0x38;
	[tilespmem:$0x1ADA0] =	vst v63  }
0x65: {  	s7 =	simm.s32 @p1 $0x3  }
0x66: {  	_ =	swait.ge @p1 [sflag:s7], $0x80  }
0x67: {  	[sflag:s7] =	ssyncset.done @p1 $0x0  }
0x68: {  	[sflag:s7] =	ssyncadd.s32 @p1 $0xFFFFFF80  }
0x69: {  	_ =	swait.ge @p1 [sflag:s7], $0x7D00  }
0x6a: {  	[sflag:s7] =	ssyncset.done @p1 $0x0  }
0x6b: {  	[sflag:s7] =	ssyncadd.s32 @p1 $0xFFFF8300  }
0x6c: {  	[spmem:s1] =	stream.indirect.scatter.add.f32 @p1 [tilespmem:s12], [sflag:$0x6], $0x100, s8, s10, $0xb8;
	[tilespmem:$0x1ADA0] =	vst v63  }
0x6d: {  	s7 =	simm.s32 @p1 $0x5  }
0x6e: {  	[spmem:s2] =	stream.indirect.scatter.add.f32 @p1 [tilespmem:s14], [sflag:$0x6], $0x10, s8, s10, $0xb8;
	[tilespmem:$0x1ADA0] =	vst v63  }
0x6f: {  	_ =	swait.ge @p1 [sflag:s7], $0x8000  }
0x70: {  	[sflag:s7] =	ssyncset.done @p1 $0x0  }
0x71: {  	[sflag:s7] =	ssyncadd.s32 @p1 $0xFFFF8000  }
0x72: {  	p2 =	sgt.u32 @p1 s6, $0x6;
	_ =	swait.ge @p1 [sflag:s7], $0x800  }
0x73: {  	p2 =	por p2, !p1;
	[sflag:s7] =	ssyncset.done @p1 $0x0  }
0x74: {  	s8 =	simm.s32 @!p2 $0x18080;
	[sflag:s7] =	ssyncadd.s32 @p1 $0xFFFFF800;
	s7 =	simm.s32 @!p2 $0x0  }
0x75: {  	[tilespmem:s8], [sflag:$0x2] =	stream.linear.gather @!p2 [hbm4b:s17+s7], $0x80, $0x38;
	[tilespmem:$0x1ADA0] =	vst v63  }
0x76: {  	s8 =	sadd.s32 @!p2 s5, s16  }
0x77: {  	s9 =	simm.s32 @!p2 $0x8000;
	s5 =	sadd.s32 @p1 $0x2EE0, s5;
	s8 =	sadd.s32 @!p2 $0x3E80, s8  }
0x78: {  	[tilespmem:s9], [sflag:$0x2] =	stream.linear.gather @!p2 [hbm4b:s8+s7], $0x7D00, $0x38;
	[tilespmem:$0x1ADA0] =	vst v63  }
0x79: {  	p2 =	sne.s32 @p1 s5, $0x1A5E0  }
0x7a: {  	p2 =	por !p1, !p2  }
.Ltmp0:
0x7b: {  	_ = 	snop;
	(pc) =	sbr.rel @!p2 .LBB2_2-.Ltmp0, $3  }
0x7c: {  	_ =	sdelay $0x1  }
0x7d: {  	s6 =	sadd.s32 @p1 $0x1, s6  }
0x7e: {  	s19 =	sadd.s32 @p1 $0x30, s19;
	s18 =	sadd.s32 @p1 $0x30, s18;
	s17 =	sadd.s32 @p1 $0x30, s17  }
0x7f: {  	_ =	swait.ge [sflag:s21], $0x8000  }
0x80: {  	[sflag:s21] =	ssyncset.done $0x0  }
0x81: {  	[sflag:s21] =	ssyncadd.s32 $0xFFFF8000  }
0x82: {  	_ =	swait.ge [sflag:s21], $0x800  }
0x83: {  	[sflag:s21] =	ssyncset.done $0x0  }
0x84: {  	[sflag:s21] =	ssyncadd.s32 $0xFFFFF800  }
0x85: {  	[bflag:$0x0] =	sbarrier.arrive $0xFFFF  }
0x86: {  	s5 =	sshrl.u32 @!p0 s1, $0x3;
	s6 =	rddreg [dreg:$0xc]  }
0x87: {  	[hbm:s6], [sflag:s11] =	dma.local @!p0 [spmem:s5], $0x4000  }
0x88: {  	s5 =	simm.s32 @!p0 $0x7  }
0x89: {  	s22 =	sadd.s32 $0x1, s22;
	_ =	swait.ge @!p0 [sflag:s5], $0x4000  }
0x8a: {  	p1 =	sne.s32 s22, s15;
	s6 =	sshrl.u32 @!p0 s2, $0x3;
	[sflag:s5] =	ssyncset.done @!p0 $0x0  }
.Ltmp1:
0x8b: {  	s7 =	rddreg [dreg:$0xd];
	[sflag:s5] =	ssyncadd.s32 @!p0 $0xFFFFC000;
	(pc) =	sbr.rel @p1 .LBB2_1-.Ltmp1, $4  }
0x8c: {  	[hbm:s7], [sflag:s11] =	dma.local @!p0 [spmem:s6], $0x400  }
0x8d: {  	_ =	swait.ge @!p0 [sflag:s5], $0x400  }
0x8e: {  	[sflag:s5] =	ssyncset.done @!p0 $0x0  }
0x8f: {  	[sflag:s5] =	ssyncadd.s32 @!p0 $0xFFFFFC00  }
0x90: {  	_ =	sfence.sel $0x180000  }
0x91: {  	[bflag:$0x0] =	sbarrier.arrive $0xFFFF  }
0x92: {  	_ =	strace $0x9000004A  }
0x93: {  	[bflag:$0x2] =	sbarrier.arrive $0xFFFF  }
0x94: {  	s0 =	rddreg [dreg:$0x4]  }
0x95: {  	s0 =	sadd.s32 @!p0 $0x100000, s0  }
0x96: {  	[sflag:s0] =	ssyncadd.tile.s32 @!p0 $0x1;
	_ =	shalt  }
.Lfunc_end2:
_tile_overlayer_lowered:
.L_overlay_start_2:
0x97: {  	(tag) =	ssettag $0x2  }
0x98: {  	s0 =	rddreg [dreg:$0x0];
	s2 =	stileid.u32  }
0x99: {  	s1 =	rddreg [dreg:$0x1];
	p0 =	sne.s32 s2, $0x0  }
0x9a: {  	s3 =	rddreg [dreg:$0x2];
	[bflag:$0x3] =	sbarrier.arrive $0xFFFF;
	s2 =	simm.s32 @!p0 $0x1C07  }
0x9b: {  	[timem:s3], [sflag:s2] =	dma.local @!p0 [hbm:s0], s1  }
0x9c: {  	s0 =	simm.s32 @!p0 $0x7  }
0x9d: {  	_ =	swait.ge @!p0 [sflag:s0], s1  }
0x9e: {  	s1 =	ssub.s32 @!p0 $0x0, s1;
	[sflag:s0] =	ssyncset.done @!p0 $0x0  }
0x9f: {  	[sflag:s0] =	ssyncadd.s32 @!p0 s1  }
0xa0: {  	[bflag:$0x3] =	sbarrier.arrive $0xFFFF  }
0xa1: {  	_ =	shalt  }

// kernel: sparse-core-data-format-call.cloned.1.call-start
scs
called_computation_lowered:
.L_overlay_start_0:
0x0: {  	s2 =	sld [smem:$0x3FD9]  }
0x1: {  	s3 =	sld [smem:$0x3FFE];
	_ =	sdelay $0x1  }
0x2: {  	s1 =	srdreg.scid  }
0x3: {  	s0 =	sand.u32 $0x1, s1  }
0x4: {  	s18 =	sshll.u32 s0, $0xA;
	s2 =	sadd.s32 s3, s2  }
0x5: {  	s2 =	sadd.s32 s2, s18  }
0x6: {  	[smem:$0x3FBF] =	sst s2  }
0x7: {  	_ = 	snop  }
0x8: {  	s2 =	sld [smem:$0x3FC9];
	(tm) =	ssettm $0x1  }
0x9: {  	s19 =	sld [smem:$0x3FFB];
	_ =	sdelay $0x3  }
0xa: {  	_ =	strace s19  }
0xb: {  	s3 =	sld [smem:$0x3FFC];
	_ =	sdelay $0x3  }
0xc: {  	_ =	strace s3  }
0xd: {  	s3 =	sld [smem:$0x3FFD];
	_ =	sdelay $0x3  }
0xe: {  	_ =	strace s3  }
0xf: {  	_ =	strace $0x8FFFFFFF  }
0x10: {  	s20 =	sld [smem:$0x3FDB];
	_ =	sdelay $0x1  }
0x11: {  	s4 =	simm.s32 $_scs_section_size  }
0x12: {  	s5 =	simm.s32 $_size__tile_overlayer_lowered;
	s6 =	simm.s32 $_tile_overlayer_lowered  }
0x13: {  	s23 =	simm.s32 $0x1BFF;
	s22 =	sshll.u32 s6, $0x1;
	s3 =	sadd.s32 s4, s20  }
0x14: {  	s7 =	simm.s32 $0x0;
	s21 =	sshll.u32 s5, $0x1;
	s5 =	sadd.s32 s22, s3  }
0x15: {  	[timem:s7], [sflag:s23] =	dma.local [hbm:s5], s21  }
0x16: {  	_ =	swait.ge [sflag:s23], s21  }
0x17: {  	s4 =	ssub.s32 $0x0, s21;
	[sflag:s23] =	ssyncset.done $0x0  }
0x18: {  	[sflag:s23] =	ssyncadd.s32 s4;
	_ =	sdelay $0x1  }
0x19: {  	s24 =	simm.s32 $0x1B8B  }
0x1a: {  	_ =	swait.ge [sflag:s24], $0x1  }
0x1b: {  	[sflag:s24] =	ssyncset.done $0x0  }
0x1c: {  	s26 =	simm.s32 $0x1B8E;
	s25 =	sld [smem:$0x3FFE];
	[sflag:s24] =	ssyncadd.s32 $0xFFFFFFFF  }
0x1d: {  	s27 =	simm.s32 $execute0_lowered;
	[smem:$0x3FD2] =	sst s26  }
0x1e: {  	s5 =	sshll.u32 s27, $0x1;
	_ =	strace $0x80000046;
	[dreg:$0x1] =	wrdreg $0xFFFFFFFF  }
0x1f: {  	s28 =	simm.s32 $_size_execute0_lowered;
	s3 =	sadd.s32 s3, s5;
	[dreg:$0x0] =	wrdreg $0x0  }
0x20: {  	s5 =	sshll.u32 s28, $0x1;
	[dreg:$0x2] =	wrdreg s3  }
0x21: {  	[dreg:$0x3] =	wrdreg s5  }
0x22: {  	[dreg:$0x4] =	wrdreg $0xC0  }
0x23: {  	_ =	task [dreg:s7], $0x5FFFF  }
0x24: {  	[dreg:$0x1] =	wrdreg $0xFFFFFFFF  }
0x25: {  	[dreg:$0x0] =	wrdreg $0x60  }
0x26: {  	[dreg:$0x2] =	wrdreg s2  }
0x27: {  	[dreg:$0x3] =	wrdreg s25  }
0x28: {  	[dreg:$0x4] =	wrdreg $0x9  }
0x29: {  	_ =	task.clear_ibuf [dreg:s7], $0x5FFFF;
	_ =	strace $0x90000046  }
0x2a: {  	s29 =	simm.s32 $0x9;
	_ =	strace $0x80000048  }
0x2b: {  	_ =	swait.ge [sflag:s29], $0x1  }
0x2c: {  	[sflag:s29] =	ssyncadd.s32 $0xFFFFFFFF  }
0x2d: {  	_ =	strace $0x90000048  }
0x2e: {  	_ =	sfence  }
0x2f: {  	s30 =	sld [smem:$0x0];
	_ =	sdelay $0x2  }
0x30: {  	s31 =	sshll.u32 s1, $0xD;
	s1 =	sshrl.u32 s1, $0x2  }
0x31: {  	s3 =	sand.u32 $0x4000, s31;
	s1 =	sadd.s32 s1, s30  }
0x32: {  	s0 =	sor.u32 s3, s0;
	s1 =	sshll.u32 s1, $0x11  }
0x33: {  	s0 =	sor.u32 s1, s0  }
0x34: {  	s0 =	sadd.s32 $0x8F2B, s0  }
0x35: {  	[sflag:s0] =	ssyncadd.remote.s32 $0x1  }
0x36: {  	_ =	sfence.sel $0xFFFF  }
0x37: {  	[dreg:$0x0] =	wrdreg $0xFFFFFFFF;
	(pc) =	sbr.abs _section_cstart, $3  }
0x38: {  	[dreg:$0x1] =	wrdreg $0xFFFFFFFF  }
0x39: {  	_ =	task.clear_ibuf [dreg:s7], $0x2FFFF;
	_ =	strace $0x9FFFFFFF  }
0x3a: {  	(tm) =	ssettm $0x7FFFFFFF  }
0x3b: {  	_ =	shalt  }
tec
execute0_lowered:
.L_overlay_start_1:
0x0: {  	(tag) =	ssettag $0x1  }
0x1: {  	s0 =	srdreg.scid;
	s2 =	rddreg [dreg:$0x0]  }
0x2: {  	s5 =	rddreg [dreg:$0x1];
	s1 =	stileid.u32  }
0x3: {  	s4 =	simm.s32 $0x1;
	s6 =	simm.s32 $0x2;
	s0 =	sshll.u32 s0, $0x4  }
0x4: {  	s8 =	simm.s32 $0x0;
	s9 =	simm.s32 $0x0;
	s3 =	sand.u32 $0x10, s0  }
.Ltmp0:
0x5: {  	s13 =	simm.s32 $0x0;
	s3 =	sor.u32 s1, s3;
	(pc) =	sbr.rel .LBB1_1-.Ltmp0, $4  }
0x6: {  	s0 =	rddreg [dreg:$0x2];
	_ =	strace $0x80000047;
	s3 =	sshll.u32 s3, $0x3  }
0x7: {  	s10 =	simm.s32 $0x0;
	[sflag:s4] =	ssyncpa.u1 $0x0;
	s7 =	ssub.s32 $0x30D0, s3  }
0x8: {  	s12 =	simm.s32 $0x0;
	[sflag:s6] =	ssyncpa.u1 $0x0;
	s6 =	sshrl.u32 s7, $0x8  }
0x9: {  	s5 =	sadd.s32 $0x1800, s5;
	s11 =	smov.u32 s3;
	s7 =	sadd.s32 $0x2, s6  }
.LBB1_9:
0xa: {  	s15 =	sshll.u32 s12, $0xE  }
0xb: {  	s16 =	sshll.u32 s10, $0x8;
	s15 =	sand.u32 $0x4000, s15  }
0xc: {  	s16 =	sadd.s32 s5, s16;
	s15 =	sor.u32 $0x8000, s15  }
0xd: {  	[hbm4b:s16+s8] =	stream.linear.scatter [tilespmem:s15], [sflag:$0x2], s14, $0x38;
	[tilespmem:$0x10000] =	vst v63  }
.LBB1_10:
0xe: {  	p0 =	slt.u32 s12, $0x2  }
0xf: {  	p1 =	sgt.s32 @!p0 s13, $0x30CC  }
0x10: {  	s14 =	smov.u32 s13;
	s15 =	sshra.s32 @!p0 s13, $0x1F;
	p1 =	por !p1, p0  }
0x11: {  	s13 =	sand.u32 @!p0 s15, s13;
	s14 =	simm.s32 @p1 $0x30CC  }
0x12: {  	s13 =	ssub.s32 @!p0 s14, s13  }
0x13: {  	s13 =	sadd.s32 @!p0 $0xFFFFCF34, s13  }
0x14: {  	s14 =	sshll.u32 @!p0 s13, $0xD  }
0x15: {  	p1 =	sgt.s32 @!p0 s13, $0x7;
	s13 =	ssub.s32 @!p0 $0x10000, s14  }
0x16: {  	s15 =	sadd.s32 $0x100, s11;
	p1 =	por !p1, p0;
	s13 =	sshrl.u32 @!p0 s13, $0x2  }
0x17: {  	s13 =	simm.s32 @!p1 $0x0;
	p1 =	sgt.s32 s15, $0x30D3  }
0x18: {  	s15 =	smov.u32 @p1 s3;
	p1 =	sne.s32 s12, s7  }
.Ltmp1:
0x19: {  	_ = 	snop;
	(pc) =	sbr.rel @!p1 .LBB1_11-.Ltmp1, $4  }
0x1a: {  	s14 =	simm.s32 @!p0 $0x2  }
0x1b: {  	s9 =	sadd.s32 $0x4000, s9;
	_ =	swait.ge @!p0 [sflag:s14], s13;
	s16 =	ssub.s32 @!p0 $0x0, s13  }
0x1c: {  	s13 =	smov.u32 s10;
	s12 =	sadd.s32 $0x1, s12;
	[sflag:s14] =	ssyncset.done @!p0 $0x0  }
0x1d: {  	s10 =	smov.u32 s11;
	s11 =	smov.u32 s15;
	[sflag:s14] =	ssyncadd.s32 @!p0 s16  }
.LBB1_1:
0x1e: {  	p0 =	sgt.u32 s12, s6  }
0x1f: {  	p1 =	sgt.s32 @!p0 s11, $0x30CC  }
0x20: {  	s14 =	smov.u32 s11;
	s15 =	sshra.s32 @!p0 s11, $0x1F;
	p1 =	por !p1, p0  }
0x21: {  	s15 =	sand.u32 @!p0 s15, s11;
	s14 =	simm.s32 @p1 $0x30CC  }
0x22: {  	s14 =	ssub.s32 @!p0 s14, s15  }
0x23: {  	s14 =	sadd.s32 @!p0 $0xFFFFCF34, s14  }
0x24: {  	s17 =	simm.s32 @!p0 $0x0;
	s15 =	sxor.u32 @!p0 $0xFFFFFFFF, s12;
	s16 =	sshll.u32 @!p0 s14, $0xD  }
0x25: {  	s15 =	sshll.u32 @!p0 s15, $0xE;
	p1 =	sgt.s32 @!p0 s14, $0x7;
	s14 =	ssub.s32 @!p0 $0x10000, s16  }
0x26: {  	p1 =	por !p1, p0;
	s16 =	sshll.u32 @!p0 s11, $0x8;
	s14 =	sshrl.u32 @!p0 s14, $0x2  }
0x27: {  	s15 =	sand.u32 @!p0 $0x4000, s15;
	s16 =	sadd.s32 @!p0 s2, s16;
	s14 =	simm.s32 @!p1 $0x0  }
0x28: {  	[tilespmem:s15], [sflag:$0x1] =	stream.linear.gather @!p0 [hbm4b:s16+s17], s14, $0x38;
	[tilespmem:$0x10000] =	vst v63  }
0x29: {  	p0 =	seq.s32 s12, $0x0  }
0x2a: {  	p1 =	sge.u32 @!p0 s12, s7  }
0x2b: {  	p0 =	por p0, p1  }
.Ltmp2:
0x2c: {  	_ = 	snop;
	(pc) =	sbr.rel @p0 .LBB1_10-.Ltmp2, $1  }
0x2d: {  	_ =	sdelay $0x3  }
0x2e: {  	p0 =	sgt.s32 s10, $0x30CC;
	s14 =	smov.u32 s10;
	s15 =	sshra.s32 s10, $0x1F  }
0x2f: {  	s14 =	simm.s32 @!p0 $0x30CC;
	s15 =	sand.u32 s15, s10  }
0x30: {  	s14 =	ssub.s32 s14, s15  }
0x31: {  	s16 =	sadd.s32 $0x8, s10;
	s14 =	sadd.s32 $0xFFFFCF34, s14  }
0x32: {  	p1 =	slt.s32 s16, $0x30D4;
	s30 =	sshll.u32 s14, $0xD  }
0x33: {  	s16 =	simm.s32 @!p1 $0x30D4;
	s15 =	ssub.s32 $0x10000, s30  }
0x34: {  	p0 =	sgt.s32 s14, $0x7;
	s14 =	sshrl.u32 s15, $0x2;
	s15 =	ssub.s32 s16, s10  }
0x35: {  	s14 =	simm.s32 @p0 $0x0;
	p0 =	slt.s32 s15, $0x1  }
.Ltmp3:
0x36: {  	_ = 	snop;
	(pc) =	sbr.rel @p0 .LBB1_9-.Ltmp3, $4  }
0x37: {  	_ = 	snop  }
0x38: {  	_ =	swait.ge [sflag:s4], s14  }
0x39: {  	s31 =	ssub.s32 $0x0, s14;
	[sflag:s4] =	ssyncset.done $0x0  }
0x3a: {  	[sflag:s4] =	ssyncadd.s32 s31  }
0x3b: {  	s16 =	sshll.u32 s9, $0x2  }
0x3c: {  	s16 =	sand.u32 $0x10000, s16  }
0x3d: {  	s16 =	sshrl.u32 s16, $0x2  }
0x3e: {  	s18 =	simm.s32 $0x0;
	s19 =	simm.s32 $0x0;
	s17 =	sor.u32 $0x8000, s16  }
.LBB1_4:
0x3f: {  	s20 =	sshra.s32 s18, $0x2  }
0x40: {  	v0 =	vmov s20;
	_ =	sdelay $0x3  }
0x41: {  	p1 =	por $0x1, $0x1;
	s20 =	simm.s32 $0x0  }
.LBB1_5:
0x42: {  	_ = 	snop  }
0x43: {  	s21 =	sshll.u32 s20, $0xA  }
0x44: {  	s21 =	sand.u32 $0x3FFFFC00, s21  }
0x45: {  	s21 =	sadd.s32 s21, s16  }
0x46: {  	v5 =	vld.idx.msk [tilespmem:v0+s21+$0x70 ss:$0x1], $0xffff  }
0x47: {  	v6 =	vld.idx.msk [tilespmem:v0+s21+$0x10 ss:$0x1], $0xffff  }
0x48: {  	v7 =	vld.idx.msk [tilespmem:v0+s21+$0x20 ss:$0x1], $0xffff  }
0x49: {  	s31 =	sshll.u32 s20, $0x7;
	v1 =	vld.idx.msk [tilespmem:v0+s21+$0x30 ss:$0x1], $0xffff  }
0x4a: {  	s20 =	sand.u32 $0x3FFFFF80, s31;
	v2 =	vld.idx.msk [tilespmem:v0+s21+$0x40 ss:$0x1], $0xffff  }
0x4b: {  	s20 =	sadd.s32 s20, s17;
	v3 =	vld.idx.msk [tilespmem:v0+s21+$0x50 ss:$0x1], $0xffff  }
0x4c: {  	v4 =	vld.idx.msk [tilespmem:v0+s21+$0x60 ss:$0x1], $0xffff;
	[tilespmem:v0+s20+$0x70 ss:$0x1] =	vst.idx.msk $0xffff, v5  }
0x4d: {  	v5 =	vld.idx.msk [tilespmem:v0+s21+$0x0 ss:$0x1], $0xffff;
	[tilespmem:v0+s20+$0x10 ss:$0x1] =	vst.idx.msk $0xffff, v6;
	s21 =	sadd.s32 $0x80, s21  }
0x4e: {  	p0 =	por p1, p1;
	s22 =	simm.s32 $0x6;
	[tilespmem:v0+s20+$0x20 ss:$0x1] =	vst.idx.msk $0xffff, v7;
	v6 =	vld.idx.msk [tilespmem:v0+s21+$0x70 ss:$0x1], $0xffff  }
.LBB1_6:
0x4f: {  	p1 =	sne.s32 s22, $0x1;
	v7 =	vld.idx.msk [tilespmem:v0+s21+$0x10 ss:$0x1], $0xffff;
	[tilespmem:v0+s20+$0x30 ss:$0x1] =	vst.idx.msk $0xffff, v1  }
0x50: {  	v8 =	vld.idx.msk [tilespmem:v0+s21+$0x20 ss:$0x1], $0xffff;
	[tilespmem:v0+s20+$0x40 ss:$0x1] =	vst.idx.msk $0xffff, v2  }
0x51: {  	v1 =	vld.idx.msk [tilespmem:v0+s21+$0x30 ss:$0x1], $0xffff;
	[tilespmem:v0+s20+$0x50 ss:$0x1] =	vst.idx.msk $0xffff, v3  }
.Ltmp4:
0x52: {  	v2 =	vld.idx.msk [tilespmem:v0+s21+$0x40 ss:$0x1], $0xffff;
	[tilespmem:v0+s20+$0x60 ss:$0x1] =	vst.idx.msk $0xffff, v4;
	(pc) =	sbr.rel @p1 .LBB1_6-.Ltmp4, $4  }
0x53: {  	v3 =	vld.idx.msk [tilespmem:v0+s21+$0x50 ss:$0x1], $0xffff;
	[tilespmem:v0+s20+$0x0 ss:$0x1] =	vst.idx.msk $0xffff, v5;
	s20 =	sadd.s32 $0x100, s20  }
0x54: {  	v4 =	vld.idx.msk [tilespmem:v0+s21+$0x60 ss:$0x1], $0xffff;
	[tilespmem:v0+s20+$0x70 ss:$0x1] =	vst.idx.msk $0xffff, v6  }
0x55: {  	v5 =	vld.idx.msk [tilespmem:v0+s21+$0x0 ss:$0x1], $0xffff;
	[tilespmem:v0+s20+$0x10 ss:$0x1] =	vst.idx.msk $0xffff, v7;
	s21 =	sadd.s32 $0x80, s21  }
0x56: {  	s22 =	sadd.s32 $0xFFFFFFFF, s22;
	v6 =	vld.idx.msk [tilespmem:v0+s21+$0x70 ss:$0x1], $0xffff;
	[tilespmem:v0+s20+$0x20 ss:$0x1] =	vst.idx.msk $0xffff, v8  }
0x57: {  	_ =	sdelay $0x3  }
0x58: {  	[tilespmem:v0+s20+$0x30 ss:$0x1] =	vst.idx.msk $0xffff, v1  }
0x59: {  	v1 =	vld.idx.msk [tilespmem:v0+s21+$0x10 ss:$0x1], $0xffff;
	[tilespmem:v0+s20+$0x40 ss:$0x1] =	vst.idx.msk $0xffff, v2  }
0x5a: {  	v2 =	vld.idx.msk [tilespmem:v0+s21+$0x20 ss:$0x1], $0xffff;
	[tilespmem:v0+s20+$0x50 ss:$0x1] =	vst.idx.msk $0xffff, v3  }
0x5b: {  	v61 =	vld.idx.msk [tilespmem:v0+s21+$0x40 ss:$0x1], $0xffff;
	[tilespmem:v0+s20+$0x60 ss:$0x1] =	vst.idx.msk $0xffff, v4  }
0x5c: {  	s31 =	sadd.s32 $0x100, s20;
	v62 =	vld.idx.msk [tilespmem:v0+s21+$0x50 ss:$0x1], $0xffff;
	[tilespmem:v0+s20+$0x0 ss:$0x1] =	vst.idx.msk $0xffff, v5  }
0x5d: {  	v63 =	vld.idx.msk [tilespmem:v0+s21+$0x60 ss:$0x1], $0xffff;
	[tilespmem:v0+s31+$0x70 ss:$0x1] =	vst.idx.msk $0xffff, v6  }
0x5e: {  	v3 =	vld.idx.msk [tilespmem:v0+s21+$0x30 ss:$0x1], $0xffff;
	[tilespmem:v0+s31+$0x10 ss:$0x1] =	vst.idx.msk $0xffff, v1  }
0x5f: {  	v1 =	vld.idx.msk [tilespmem:v0+s21+$0x0 ss:$0x1], $0xffff;
	[tilespmem:v0+s31+$0x20 ss:$0x1] =	vst.idx.msk $0xffff, v2  }
.Ltmp5:
0x60: {  	[tilespmem:v0+s31+$0x40 ss:$0x1] =	vst.idx.msk $0xffff, v61;
	(pc) =	sbr.rel @p0 .LBB1_5-.Ltmp5, $4  }
0x61: {  	[tilespmem:v0+s31+$0x50 ss:$0x1] =	vst.idx.msk $0xffff, v62  }
0x62: {  	[tilespmem:v0+s31+$0x60 ss:$0x1] =	vst.idx.msk $0xffff, v63  }
0x63: {  	[tilespmem:v0+s31+$0x30 ss:$0x1] =	vst.idx.msk $0xffff, v3  }
0x64: {  	p1 =	por $0x0, $0x0;
	s20 =	simm.s32 $0x1;
	[tilespmem:v0+s31+$0x0 ss:$0x1] =	vst.idx.msk $0xffff, v1  }
0x65: {  	s19 =	sadd.s32 $0x1, s19  }
0x66: {  	p0 =	sne.s32 s19, s15  }
.Ltmp6:
0x67: {  	_ = 	snop;
	(pc) =	sbr.rel @p0 .LBB1_4-.Ltmp6, $4  }
.Ltmp7:
0x68: {  	_ = 	snop;
	(pc) =	sbr.rel @!p0 .LBB1_9-.Ltmp7, $4  }
0x69: {  	_ = 	snop  }
0x6a: {  	_ = 	snop  }
0x6b: {  	s18 =	sadd.s32 $0x2000, s18  }
0x6c: {  	_ = 	snop  }
.LBB1_11:
0x6d: {  	_ =	sfence.sel $0x180000  }
0x6e: {  	s2 =	simm.s32 $0x1;
	[bflag:$0x0] =	sbarrier.arrive $0xFFFF  }
0x6f: {  	s31 =	simm.s32 $0x2;
	[sflag:s2] =	ssyncpa.u1 $0x1  }
0x70: {  	[sflag:s31] =	ssyncpa.u1 $0x1  }
0x71: {  	p0 =	sne.s32 s1, $0x0;
	_ =	strace $0x90000047  }
0x72: {  	s0 =	sadd.s32 @!p0 $0x100000, s0;
	[bflag:$0x2] =	sbarrier.arrive $0xFFFF  }
0x73: {  	[sflag:s0] =	ssyncadd.tile.s32 @!p0 $0x1;
	_ =	shalt  }
.Lfunc_end1:
_tile_overlayer_lowered:
.L_overlay_start_2:
0x74: {  	(tag) =	ssettag $0x2  }
0x75: {  	s0 =	rddreg [dreg:$0x0];
	s2 =	stileid.u32  }
0x76: {  	s1 =	rddreg [dreg:$0x1];
	p0 =	sne.s32 s2, $0x0  }
0x77: {  	s3 =	rddreg [dreg:$0x2];
	[bflag:$0x3] =	sbarrier.arrive $0xFFFF;
	s2 =	simm.s32 @!p0 $0x1C01  }
0x78: {  	[timem:s3], [sflag:s2] =	dma.local @!p0 [hbm:s0], s1  }
0x79: {  	s0 =	simm.s32 @!p0 $0x1  }
0x7a: {  	_ =	swait.ge @!p0 [sflag:s0], s1  }
0x7b: {  	s1 =	ssub.s32 @!p0 $0x0, s1;
	[sflag:s0] =	ssyncset.done @!p0 $0x0  }
0x7c: {  	[sflag:s0] =	ssyncadd.s32 @!p0 s1  }
0x7d: {  	[bflag:$0x3] =	sbarrier.arrive $0xFFFF  }
0x7e: {  	_ =	shalt  }

</sc_bundles>
